<compile_context>
chip_gen: v7x
topology: tpu7x:2x2x1
jax: 0.10.2.dev20260603
libtpu: 0.0.44.dev20260713+nightly
codegen_flags: <defaults>
</compile_context>

<pallas_src>
import functools

import jax
import jax.numpy as jnp
from jax import lax
from jax.experimental import pallas as pl
from jax.experimental.pallas import tpu as pltpu
from jax.experimental.pallas import tpu_sc as plsc

NUM_TABLES = 3
DIM = 128
CHUNK = 256
NBUF = 3


def _make_sc_gather(batch: int, seq: int):
    total_rows = batch * seq
    info = plsc.get_sparse_core_info()
    nw = info.num_cores * info.num_subcores
    rows_per_w = total_rows // nw
    chunks_per_w = rows_per_w // CHUNK
    w_per_row = seq // rows_per_w

    mesh = plsc.VectorSubcoreMesh(core_axis_name="c", subcore_axis_name="s")

    @functools.partial(
        pl.kernel,
        out_type=jax.ShapeDtypeStruct((NUM_TABLES, total_rows, DIM),
                                      jnp.float32),
        mesh=mesh,
        scratch_types=(
            [pltpu.VMEM((rows_per_w,), jnp.int32)]
            + [pltpu.VMEM((CHUNK, DIM), jnp.float32) for _ in range(NBUF)]
            + [pltpu.SemaphoreType.DMA for _ in range(2 * NBUF)]
        ),
    )
    def k(idx_hbm, w0, w1, w2, out_hbm, idx_v, *bufs_and_sems):
        bufs = bufs_and_sems[:NBUF]
        gsem = bufs_and_sems[NBUF:2 * NBUF]
        ssem = bufs_and_sems[2 * NBUF:]
        wid = lax.axis_index("s") * info.num_cores + lax.axis_index("c")
        base = wid * rows_per_w

        pltpu.sync_copy(
            idx_hbm.at[wid // w_per_row,
                       pl.ds((wid % w_per_row) * rows_per_w, rows_per_w)],
            idx_v)

        tables = (w0, w1, w2)
        n_chunks = NUM_TABLES * chunks_per_w

        def fire_gather(c):
            t, j = divmod(c, chunks_per_w)
            b = c % NBUF
            return pltpu.async_copy(
                tables[t].at[idx_v.at[pl.ds(j * CHUNK, CHUNK)]], bufs[b],
                gsem[b])

        def fire_store(c):
            t, j = divmod(c, chunks_per_w)
            b = c % NBUF
            return pltpu.async_copy(
                bufs[b], out_hbm.at[t, pl.ds(base + j * CHUNK, CHUNK)],
                ssem[b])

        gathers = [None] * n_chunks
        stores = [None] * n_chunks
        for c in range(min(NBUF, n_chunks)):
            gathers[c] = fire_gather(c)
        for c in range(n_chunks):
            gathers[c].wait()
            stores[c] = fire_store(c)
            nxt = c + NBUF
            if nxt < n_chunks:
                stores[nxt - NBUF].wait()
                gathers[nxt] = fire_gather(nxt)
        for c in range(max(0, n_chunks - NBUF), n_chunks):
            stores[c].wait()

    return k


def kernel(input_seq, W0, W1, W2):
    b, s = input_seq.shape
    idx = jnp.asarray(input_seq, jnp.int32)
    out = _make_sc_gather(b, s)(idx, W0, W1, W2)
    return out.reshape(NUM_TABLES, b, s, DIM)

# --- scband reference (transcript-rebuilt; emitter-appended) ---
"""Pipeline reference for scband-value-embedding-65008624993151 (READ-ONLY COPY).

The authoritative reference and input builder live on the scoring server;
editing this copy changes nothing except your own understanding.
"""

import jax, jax.numpy as jnp
import numpy as np

NUM_EMBEDDINGS = 100000
EMBEDDING_DIM = 128
BATCH = 4
SEQ_LEN = 8192

def setup_inputs(seed: int = 0) -> dict:
    key = jax.random.key(seed)
    k_idx, k0, k1, k2 = jax.random.split(key, 4)
    input_seq = jax.random.randint(k_idx, (BATCH, SEQ_LEN), 0, NUM_EMBEDDINGS)
    # Three independent embedding tables (nn.Embedding default init ~ N(0,1))
    W0 = jax.random.normal(k0, (NUM_EMBEDDINGS, EMBEDDING_DIM), dtype=jnp.float32)
    W1 = jax.random.normal(k1, (NUM_EMBEDDINGS, EMBEDDING_DIM), dtype=jnp.float32)
    W2 = jax.random.normal(k2, (NUM_EMBEDDINGS, EMBEDDING_DIM), dtype=jnp.float32)
    return {"input_seq": input_seq, "W0": W0, "W1": W1, "W2": W2}

def reference(input_seq, W0, W1, W2):
    # ve[i] = embed_i(input_seq)  -> gather rows from each table
    ve0 = jnp.take(W0, input_seq, axis=0)
    ve1 = jnp.take(W1, input_seq, axis=0)
    ve2 = jnp.take(W2, input_seq, axis=0)
    # Original returns [ve0, ve1, ve2, None*6, ve0, ve1, ve2]; the Nones and
    # aliased repeats carry no extra computation, so we return the three
    # distinct embedding lookups stacked along a leading axis.
    return jnp.stack([ve0, ve1, ve2], axis=0)

if __name__ == "__main__":
    import jax
    _d = setup_inputs()
    print(jax.jit(kernel)(*tuple(_d.values())))

</pallas_src>

<mosaic_0001>
#map = affine_map<(d0, d1) -> (0, 0)>
#map1 = affine_map<(d0, d1) -> (0, 0, 0)>
module attributes {stable_mosaic.version = 14 : i64} {
  func.func @k(%arg0: i32, %arg1: i32, %arg2: memref<4x8192xi32, #tpu.memory_space<hbm>>, %arg3: memref<100000x128xf32, #tpu.memory_space<hbm>>, %arg4: memref<100000x128xf32, #tpu.memory_space<hbm>>, %arg5: memref<100000x128xf32, #tpu.memory_space<hbm>>, %arg6: memref<3x32768x128xf32, #tpu.memory_space<hbm>>, %arg7: memref<1024xi32, #tpu.memory_space<vmem>>, %arg8: memref<256x128xf32, #tpu.memory_space<vmem>>, %arg9: memref<256x128xf32, #tpu.memory_space<vmem>>, %arg10: memref<256x128xf32, #tpu.memory_space<vmem>>, %arg11: memref<!tpu.dma_semaphore, #tpu.memory_space<semaphore_mem>>, %arg12: memref<!tpu.dma_semaphore, #tpu.memory_space<semaphore_mem>>, %arg13: memref<!tpu.dma_semaphore, #tpu.memory_space<semaphore_mem>>, %arg14: memref<!tpu.dma_semaphore, #tpu.memory_space<semaphore_mem>>, %arg15: memref<!tpu.dma_semaphore, #tpu.memory_space<semaphore_mem>>, %arg16: memref<!tpu.dma_semaphore, #tpu.memory_space<semaphore_mem>>) attributes {dimension_semantics = [#tpu.dimension_semantics<core_parallel>, #tpu.dimension_semantics<subcore_parallel>], iteration_bounds = array<i64: 2, 16>, scalar_prefetch = 0 : i64, scratch_operands = 10 : i64, tpu.core_type = #tpu.core_type<sc_vector_subcore>, window_params = [{transform_indices = #map}, {transform_indices = #map}, {transform_indices = #map}, {transform_indices = #map}, {transform_indices = #map1}]} {
    %mul3A = arith.constant 2 : i32
    %mul3A_0 = arith.muli %arg1, %mul3A : i32
    %add3A = arith.addi %mul3A_0, %arg0 : i32
    %mul3A_1 = arith.constant 1024 : i32
    %mul3A_2 = arith.muli %add3A, %mul3A_1 : i32
    %jit3A = arith.constant 8 : i32
    %div3A = arith.divsi %add3A, %jit3A : i32
    %sign3A = arith.constant 0 : i32
    %sign3A_3 = arith.cmpi sgt, %add3A, %sign3A : i32
    %sign3A_4 = arith.extui %sign3A_3 : i1 to i32
    %sign3A_5 = arith.constant 0 : i32
    %sign3A_6 = arith.cmpi slt, %add3A, %sign3A_5 : i32
    %sign3A_7 = arith.extui %sign3A_6 : i1 to i32
    %sign3A_8 = arith.subi %sign3A_4, %sign3A_7 : i32
    %sign3A_9 = arith.constant 0 : i32
    %sign3A_10 = arith.cmpi sgt, %jit3A, %sign3A_9 : i32
    %sign3A_11 = arith.extui %sign3A_10 : i1 to i32
    %sign3A_12 = arith.constant 0 : i32
    %sign3A_13 = arith.cmpi slt, %jit3A, %sign3A_12 : i32
    %sign3A_14 = arith.extui %sign3A_13 : i1 to i32
    %sign3A_15 = arith.subi %sign3A_11, %sign3A_14 : i32
    %ne3A = arith.cmpi ne, %sign3A_8, %sign3A_15 : i32
    %rem3A = arith.remsi %add3A, %jit3A : i32
    %ne3A_16 = arith.constant 0 : i32
    %ne3A_17 = arith.cmpi ne, %rem3A, %ne3A_16 : i32
    %and3A = arith.andi %ne3A, %ne3A_17 : i1
    %sub3A = arith.constant 1 : i32
    %sub3A_18 = arith.subi %div3A, %sub3A : i32
    %select_n3A = arith.select %and3A, %sub3A_18, %div3A : i32
    %jit3A_19 = arith.constant 8 : i32
    %eq3A = arith.constant 0 : i32
    %eq3A_20 = arith.cmpi eq, %jit3A_19, %eq3A : i32
    %jit3A_21 = arith.constant 1 : i32
    %select_n3A_22 = arith.select %eq3A_20, %jit3A_21, %jit3A_19 : i32
    %rem3A_23 = arith.remsi %add3A, %select_n3A_22 : i32
    %ne3A_24 = arith.constant 0 : i32
    %ne3A_25 = arith.cmpi ne, %rem3A_23, %ne3A_24 : i32
    %lt3A = arith.constant 0 : i32
    %lt3A_26 = arith.cmpi slt, %rem3A_23, %lt3A : i32
    %lt3A_27 = arith.constant 0 : i32
    %lt3A_28 = arith.cmpi slt, %select_n3A_22, %lt3A_27 : i32
    %ne3A_29 = arith.xori %lt3A_26, %lt3A_28 : i1
    %and3A_30 = arith.andi %ne3A_29, %ne3A_25 : i1
    %add3A_31 = arith.addi %rem3A_23, %select_n3A_22 : i32
    %select_n3A_32 = arith.select %and3A_30, %add3A_31, %rem3A_23 : i32
    %mul3A_33 = arith.constant 1024 : i32
    %mul3A_34 = arith.muli %select_n3A_32, %mul3A_33 : i32
    "tpu.region"() ({
      %run_scoped3A = tpu.sem_alloc : memref<!tpu.dma_semaphore, #tpu.memory_space<semaphore_mem>>
      %dma_start3A_345 = tpu.memref_slice %arg2[%select_n3A, %mul3A_34] : memref<4x8192xi32, #tpu.memory_space<hbm>> -> memref<1x1024xi32, #tpu.memory_space<hbm>>
      %dma_start3A_346 = tpu.memref_squeeze %dma_start3A_345 : memref<1x1024xi32, #tpu.memory_space<hbm>> -> memref<1024xi32, #tpu.memory_space<hbm>>
      %dma_start3A_347 = tpu.memref_slice %arg2[%select_n3A, %mul3A_34] : memref<4x8192xi32, #tpu.memory_space<hbm>> -> memref<1x1024xi32, #tpu.memory_space<hbm>>
      %dma_start3A_348 = tpu.memref_squeeze %dma_start3A_347 : memref<1x1024xi32, #tpu.memory_space<hbm>> -> memref<1024xi32, #tpu.memory_space<hbm>>
      tpu.enqueue_dma source(%dma_start3A_348 : memref<1024xi32, #tpu.memory_space<hbm>>) target(%arg7 : memref<1024xi32, #tpu.memory_space<vmem>>) target_semaphore(%run_scoped3A : memref<!tpu.dma_semaphore, #tpu.memory_space<semaphore_mem>>)
      %dma_wait3A_349 = tpu.memref_slice %arg2[%select_n3A, %mul3A_34] : memref<4x8192xi32, #tpu.memory_space<hbm>> -> memref<1x1024xi32, #tpu.memory_space<hbm>>
      %dma_wait3A_350 = tpu.memref_squeeze %dma_wait3A_349 : memref<1x1024xi32, #tpu.memory_space<hbm>> -> memref<1024xi32, #tpu.memory_space<hbm>>
      %dma_wait3A_351 = tpu.memref_slice %arg2[%select_n3A, %mul3A_34] : memref<4x8192xi32, #tpu.memory_space<hbm>> -> memref<1x1024xi32, #tpu.memory_space<hbm>>
      %dma_wait3A_352 = tpu.memref_squeeze %dma_wait3A_351 : memref<1x1024xi32, #tpu.memory_space<hbm>> -> memref<1024xi32, #tpu.memory_space<hbm>>
      tpu.wait_dma2 semaphore(%run_scoped3A : memref<!tpu.dma_semaphore, #tpu.memory_space<semaphore_mem>>) src(%dma_wait3A_352 : memref<1024xi32, #tpu.memory_space<hbm>>) dst(%arg7 : memref<1024xi32, #tpu.memory_space<vmem>>)
      tpu.yield
    }) : () -> ()
    %dma_start3A = arith.constant 0 : i32
    %dma_start3A_35 = tpu.memref_slice %arg7[%dma_start3A] : memref<1024xi32, #tpu.memory_space<vmem>> -> memref<256xi32, #tpu.memory_space<vmem>>
    %dma_start3A_36 = arith.constant 0 : i32
    %dma_start3A_37 = arith.constant 0 : i32
    %dma_start3A_38 = tpu.memref_slice %arg3[%dma_start3A_36, %dma_start3A_37] : memref<100000x128xf32, #tpu.memory_space<hbm>> -> memref<100000x128xf32, #tpu.memory_space<hbm>>
    tpu.enqueue_indirect_dma source(%dma_start3A_38 : memref<100000x128xf32, #tpu.memory_space<hbm>>) target(%arg8 : memref<256x128xf32, #tpu.memory_space<vmem>>) offsets(%dma_start3A_35 : memref<256xi32, #tpu.memory_space<vmem>>) semaphore(%arg11 : memref<!tpu.dma_semaphore, #tpu.memory_space<semaphore_mem>>)
    %dma_start3A_39 = arith.constant 256 : i32
    %dma_start3A_40 = tpu.memref_slice %arg7[%dma_start3A_39] : memref<1024xi32, #tpu.memory_space<vmem>> -> memref<256xi32, #tpu.memory_space<vmem>>
    %dma_start3A_41 = arith.constant 0 : i32
    %dma_start3A_42 = arith.constant 0 : i32
    %dma_start3A_43 = tpu.memref_slice %arg3[%dma_start3A_41, %dma_start3A_42] : memref<100000x128xf32, #tpu.memory_space<hbm>> -> memref<100000x128xf32, #tpu.memory_space<hbm>>
    tpu.enqueue_indirect_dma source(%dma_start3A_43 : memref<100000x128xf32, #tpu.memory_space<hbm>>) target(%arg9 : memref<256x128xf32, #tpu.memory_space<vmem>>) offsets(%dma_start3A_40 : memref<256xi32, #tpu.memory_space<vmem>>) semaphore(%arg12 : memref<!tpu.dma_semaphore, #tpu.memory_space<semaphore_mem>>)
    %dma_start3A_44 = arith.constant 512 : i32
    %dma_start3A_45 = tpu.memref_slice %arg7[%dma_start3A_44] : memref<1024xi32, #tpu.memory_space<vmem>> -> memref<256xi32, #tpu.memory_space<vmem>>
    %dma_start3A_46 = arith.constant 0 : i32
    %dma_start3A_47 = arith.constant 0 : i32
    %dma_start3A_48 = tpu.memref_slice %arg3[%dma_start3A_46, %dma_start3A_47] : memref<100000x128xf32, #tpu.memory_space<hbm>> -> memref<100000x128xf32, #tpu.memory_space<hbm>>
    tpu.enqueue_indirect_dma source(%dma_start3A_48 : memref<100000x128xf32, #tpu.memory_space<hbm>>) target(%arg10 : memref<256x128xf32, #tpu.memory_space<vmem>>) offsets(%dma_start3A_45 : memref<256xi32, #tpu.memory_space<vmem>>) semaphore(%arg13 : memref<!tpu.dma_semaphore, #tpu.memory_space<semaphore_mem>>)
    %dma_wait3A = arith.constant 0 : i32
    %dma_wait3A_49 = tpu.memref_slice %arg7[%dma_wait3A] : memref<1024xi32, #tpu.memory_space<vmem>> -> memref<256xi32, #tpu.memory_space<vmem>>
    %dma_wait3A_50 = arith.constant 0 : i32
    %dma_wait3A_51 = arith.constant 0 : i32
    %dma_wait3A_52 = tpu.memref_slice %arg3[%dma_wait3A_50, %dma_wait3A_51] : memref<100000x128xf32, #tpu.memory_space<hbm>> -> memref<100000x128xf32, #tpu.memory_space<hbm>>
    tpu.wait_indirect_dma semaphore(%arg11 : memref<!tpu.dma_semaphore, #tpu.memory_space<semaphore_mem>>) src(%dma_wait3A_52 : memref<100000x128xf32, #tpu.memory_space<hbm>>) dst(%arg8 : memref<256x128xf32, #tpu.memory_space<vmem>>)
    %add3A_53 = arith.constant 0 : i32
    %add3A_54 = arith.addi %mul3A_2, %add3A_53 : i32
    %dma_start3A_55 = arith.constant 0 : i32
    %dma_start3A_56 = arith.constant 0 : i32
    %dma_start3A_57 = tpu.memref_slice %arg6[%dma_start3A_55, %add3A_54, %dma_start3A_56] : memref<3x32768x128xf32, #tpu.memory_space<hbm>> -> memref<1x256x128xf32, #tpu.memory_space<hbm>>
    %dma_start3A_58 = tpu.memref_squeeze %dma_start3A_57 : memref<1x256x128xf32, #tpu.memory_space<hbm>> -> memref<256x128xf32, #tpu.memory_space<hbm>>
    %dma_start3A_59 = arith.constant 0 : i32
    %dma_start3A_60 = tpu.memref_slice %arg6[%dma_start3A_55, %add3A_54, %dma_start3A_59] : memref<3x32768x128xf32, #tpu.memory_space<hbm>> -> memref<1x256x128xf32, #tpu.memory_space<hbm>>
    %dma_start3A_61 = tpu.memref_squeeze %dma_start3A_60 : memref<1x256x128xf32, #tpu.memory_space<hbm>> -> memref<256x128xf32, #tpu.memory_space<hbm>>
    tpu.enqueue_dma source(%arg8 : memref<256x128xf32, #tpu.memory_space<vmem>>) target(%dma_start3A_61 : memref<256x128xf32, #tpu.memory_space<hbm>>) target_semaphore(%arg14 : memref<!tpu.dma_semaphore, #tpu.memory_space<semaphore_mem>>)
    %dma_wait3A_62 = arith.constant 0 : i32
    %dma_wait3A_63 = arith.constant 0 : i32
    %dma_wait3A_64 = tpu.memref_slice %arg6[%dma_wait3A_62, %add3A_54, %dma_wait3A_63] : memref<3x32768x128xf32, #tpu.memory_space<hbm>> -> memref<1x256x128xf32, #tpu.memory_space<hbm>>
    %dma_wait3A_65 = tpu.memref_squeeze %dma_wait3A_64 : memref<1x256x128xf32, #tpu.memory_space<hbm>> -> memref<256x128xf32, #tpu.memory_space<hbm>>
    %dma_wait3A_66 = arith.constant 0 : i32
    %dma_wait3A_67 = tpu.memref_slice %arg6[%dma_wait3A_62, %add3A_54, %dma_wait3A_66] : memref<3x32768x128xf32, #tpu.memory_space<hbm>> -> memref<1x256x128xf32, #tpu.memory_space<hbm>>
    %dma_wait3A_68 = tpu.memref_squeeze %dma_wait3A_67 : memref<1x256x128xf32, #tpu.memory_space<hbm>> -> memref<256x128xf32, #tpu.memory_space<hbm>>
    tpu.wait_dma2 semaphore(%arg14 : memref<!tpu.dma_semaphore, #tpu.memory_space<semaphore_mem>>) src(%arg8 : memref<256x128xf32, #tpu.memory_space<vmem>>) dst(%dma_wait3A_68 : memref<256x128xf32, #tpu.memory_space<hbm>>)
    %dma_start3A_69 = arith.constant 768 : i32
    %dma_start3A_70 = tpu.memref_slice %arg7[%dma_start3A_69] : memref<1024xi32, #tpu.memory_space<vmem>> -> memref<256xi32, #tpu.memory_space<vmem>>
    %dma_start3A_71 = arith.constant 0 : i32
    %dma_start3A_72 = arith.constant 0 : i32
    %dma_start3A_73 = tpu.memref_slice %arg3[%dma_start3A_71, %dma_start3A_72] : memref<100000x128xf32, #tpu.memory_space<hbm>> -> memref<100000x128xf32, #tpu.memory_space<hbm>>
    tpu.enqueue_indirect_dma source(%dma_start3A_73 : memref<100000x128xf32, #tpu.memory_space<hbm>>) target(%arg8 : memref<256x128xf32, #tpu.memory_space<vmem>>) offsets(%dma_start3A_70 : memref<256xi32, #tpu.memory_space<vmem>>) semaphore(%arg11 : memref<!tpu.dma_semaphore, #tpu.memory_space<semaphore_mem>>)
    %dma_wait3A_74 = arith.constant 256 : i32
    %dma_wait3A_75 = tpu.memref_slice %arg7[%dma_wait3A_74] : memref<1024xi32, #tpu.memory_space<vmem>> -> memref<256xi32, #tpu.memory_space<vmem>>
    %dma_wait3A_76 = arith.constant 0 : i32
    %dma_wait3A_77 = arith.constant 0 : i32
    %dma_wait3A_78 = tpu.memref_slice %arg3[%dma_wait3A_76, %dma_wait3A_77] : memref<100000x128xf32, #tpu.memory_space<hbm>> -> memref<100000x128xf32, #tpu.memory_space<hbm>>
    tpu.wait_indirect_dma semaphore(%arg12 : memref<!tpu.dma_semaphore, #tpu.memory_space<semaphore_mem>>) src(%dma_wait3A_78 : memref<100000x128xf32, #tpu.memory_space<hbm>>) dst(%arg9 : memref<256x128xf32, #tpu.memory_space<vmem>>)
    %add3A_79 = arith.constant 256 : i32
    %add3A_80 = arith.addi %mul3A_2, %add3A_79 : i32
    %dma_start3A_81 = arith.constant 0 : i32
    %dma_start3A_82 = arith.constant 0 : i32
    %dma_start3A_83 = tpu.memref_slice %arg6[%dma_start3A_81, %add3A_80, %dma_start3A_82] : memref<3x32768x128xf32, #tpu.memory_space<hbm>> -> memref<1x256x128xf32, #tpu.memory_space<hbm>>
    %dma_start3A_84 = tpu.memref_squeeze %dma_start3A_83 : memref<1x256x128xf32, #tpu.memory_space<hbm>> -> memref<256x128xf32, #tpu.memory_space<hbm>>
    %dma_start3A_85 = arith.constant 0 : i32
    %dma_start3A_86 = tpu.memref_slice %arg6[%dma_start3A_81, %add3A_80, %dma_start3A_85] : memref<3x32768x128xf32, #tpu.memory_space<hbm>> -> memref<1x256x128xf32, #tpu.memory_space<hbm>>
    %dma_start3A_87 = tpu.memref_squeeze %dma_start3A_86 : memref<1x256x128xf32, #tpu.memory_space<hbm>> -> memref<256x128xf32, #tpu.memory_space<hbm>>
    tpu.enqueue_dma source(%arg9 : memref<256x128xf32, #tpu.memory_space<vmem>>) target(%dma_start3A_87 : memref<256x128xf32, #tpu.memory_space<hbm>>) target_semaphore(%arg15 : memref<!tpu.dma_semaphore, #tpu.memory_space<semaphore_mem>>)
    %dma_wait3A_88 = arith.constant 0 : i32
    %dma_wait3A_89 = arith.constant 0 : i32
    %dma_wait3A_90 = tpu.memref_slice %arg6[%dma_wait3A_88, %add3A_80, %dma_wait3A_89] : memref<3x32768x128xf32, #tpu.memory_space<hbm>> -> memref<1x256x128xf32, #tpu.memory_space<hbm>>
    %dma_wait3A_91 = tpu.memref_squeeze %dma_wait3A_90 : memref<1x256x128xf32, #tpu.memory_space<hbm>> -> memref<256x128xf32, #tpu.memory_space<hbm>>
    %dma_wait3A_92 = arith.constant 0 : i32
    %dma_wait3A_93 = tpu.memref_slice %arg6[%dma_wait3A_88, %add3A_80, %dma_wait3A_92] : memref<3x32768x128xf32, #tpu.memory_space<hbm>> -> memref<1x256x128xf32, #tpu.memory_space<hbm>>
    %dma_wait3A_94 = tpu.memref_squeeze %dma_wait3A_93 : memref<1x256x128xf32, #tpu.memory_space<hbm>> -> memref<256x128xf32, #tpu.memory_space<hbm>>
    tpu.wait_dma2 semaphore(%arg15 : memref<!tpu.dma_semaphore, #tpu.memory_space<semaphore_mem>>) src(%arg9 : memref<256x128xf32, #tpu.memory_space<vmem>>) dst(%dma_wait3A_94 : memref<256x128xf32, #tpu.memory_space<hbm>>)
    %dma_start3A_95 = arith.constant 0 : i32
    %dma_start3A_96 = tpu.memref_slice %arg7[%dma_start3A_95] : memref<1024xi32, #tpu.memory_space<vmem>> -> memref<256xi32, #tpu.memory_space<vmem>>
    %dma_start3A_97 = arith.constant 0 : i32
    %dma_start3A_98 = arith.constant 0 : i32
    %dma_start3A_99 = tpu.memref_slice %arg4[%dma_start3A_97, %dma_start3A_98] : memref<100000x128xf32, #tpu.memory_space<hbm>> -> memref<100000x128xf32, #tpu.memory_space<hbm>>
    tpu.enqueue_indirect_dma source(%dma_start3A_99 : memref<100000x128xf32, #tpu.memory_space<hbm>>) target(%arg9 : memref<256x128xf32, #tpu.memory_space<vmem>>) offsets(%dma_start3A_96 : memref<256xi32, #tpu.memory_space<vmem>>) semaphore(%arg12 : memref<!tpu.dma_semaphore, #tpu.memory_space<semaphore_mem>>)
    %dma_wait3A_100 = arith.constant 512 : i32
    %dma_wait3A_101 = tpu.memref_slice %arg7[%dma_wait3A_100] : memref<1024xi32, #tpu.memory_space<vmem>> -> memref<256xi32, #tpu.memory_space<vmem>>
    %dma_wait3A_102 = arith.constant 0 : i32
    %dma_wait3A_103 = arith.constant 0 : i32
    %dma_wait3A_104 = tpu.memref_slice %arg3[%dma_wait3A_102, %dma_wait3A_103] : memref<100000x128xf32, #tpu.memory_space<hbm>> -> memref<100000x128xf32, #tpu.memory_space<hbm>>
    tpu.wait_indirect_dma semaphore(%arg13 : memref<!tpu.dma_semaphore, #tpu.memory_space<semaphore_mem>>) src(%dma_wait3A_104 : memref<100000x128xf32, #tpu.memory_space<hbm>>) dst(%arg10 : memref<256x128xf32, #tpu.memory_space<vmem>>)
    %add3A_105 = arith.constant 512 : i32
    %add3A_106 = arith.addi %mul3A_2, %add3A_105 : i32
    %dma_start3A_107 = arith.constant 0 : i32
    %dma_start3A_108 = arith.constant 0 : i32
    %dma_start3A_109 = tpu.memref_slice %arg6[%dma_start3A_107, %add3A_106, %dma_start3A_108] : memref<3x32768x128xf32, #tpu.memory_space<hbm>> -> memref<1x256x128xf32, #tpu.memory_space<hbm>>
    %dma_start3A_110 = tpu.memref_squeeze %dma_start3A_109 : memref<1x256x128xf32, #tpu.memory_space<hbm>> -> memref<256x128xf32, #tpu.memory_space<hbm>>
    %dma_start3A_111 = arith.constant 0 : i32
    %dma_start3A_112 = tpu.memref_slice %arg6[%dma_start3A_107, %add3A_106, %dma_start3A_111] : memref<3x32768x128xf32, #tpu.memory_space<hbm>> -> memref<1x256x128xf32, #tpu.memory_space<hbm>>
    %dma_start3A_113 = tpu.memref_squeeze %dma_start3A_112 : memref<1x256x128xf32, #tpu.memory_space<hbm>> -> memref<256x128xf32, #tpu.memory_space<hbm>>
    tpu.enqueue_dma source(%arg10 : memref<256x128xf32, #tpu.memory_space<vmem>>) target(%dma_start3A_113 : memref<256x128xf32, #tpu.memory_space<hbm>>) target_semaphore(%arg16 : memref<!tpu.dma_semaphore, #tpu.memory_space<semaphore_mem>>)
    %dma_wait3A_114 = arith.constant 0 : i32
    %dma_wait3A_115 = arith.constant 0 : i32
    %dma_wait3A_116 = tpu.memref_slice %arg6[%dma_wait3A_114, %add3A_106, %dma_wait3A_115] : memref<3x32768x128xf32, #tpu.memory_space<hbm>> -> memref<1x256x128xf32, #tpu.memory_space<hbm>>
    %dma_wait3A_117 = tpu.memref_squeeze %dma_wait3A_116 : memref<1x256x128xf32, #tpu.memory_space<hbm>> -> memref<256x128xf32, #tpu.memory_space<hbm>>
    %dma_wait3A_118 = arith.constant 0 : i32
    %dma_wait3A_119 = tpu.memref_slice %arg6[%dma_wait3A_114, %add3A_106, %dma_wait3A_118] : memref<3x32768x128xf32, #tpu.memory_space<hbm>> -> memref<1x256x128xf32, #tpu.memory_space<hbm>>
    %dma_wait3A_120 = tpu.memref_squeeze %dma_wait3A_119 : memref<1x256x128xf32, #tpu.memory_space<hbm>> -> memref<256x128xf32, #tpu.memory_space<hbm>>
    tpu.wait_dma2 semaphore(%arg16 : memref<!tpu.dma_semaphore, #tpu.memory_space<semaphore_mem>>) src(%arg10 : memref<256x128xf32, #tpu.memory_space<vmem>>) dst(%dma_wait3A_120 : memref<256x128xf32, #tpu.memory_space<hbm>>)
    %dma_start3A_121 = arith.constant 256 : i32
    %dma_start3A_122 = tpu.memref_slice %arg7[%dma_start3A_121] : memref<1024xi32, #tpu.memory_space<vmem>> -> memref<256xi32, #tpu.memory_space<vmem>>
    %dma_start3A_123 = arith.constant 0 : i32
    %dma_start3A_124 = arith.constant 0 : i32
    %dma_start3A_125 = tpu.memref_slice %arg4[%dma_start3A_123, %dma_start3A_124] : memref<100000x128xf32, #tpu.memory_space<hbm>> -> memref<100000x128xf32, #tpu.memory_space<hbm>>
    tpu.enqueue_indirect_dma source(%dma_start3A_125 : memref<100000x128xf32, #tpu.memory_space<hbm>>) target(%arg10 : memref<256x128xf32, #tpu.memory_space<vmem>>) offsets(%dma_start3A_122 : memref<256xi32, #tpu.memory_space<vmem>>) semaphore(%arg13 : memref<!tpu.dma_semaphore, #tpu.memory_space<semaphore_mem>>)
    %dma_wait3A_126 = arith.constant 768 : i32
    %dma_wait3A_127 = tpu.memref_slice %arg7[%dma_wait3A_126] : memref<1024xi32, #tpu.memory_space<vmem>> -> memref<256xi32, #tpu.memory_space<vmem>>
    %dma_wait3A_128 = arith.constant 0 : i32
    %dma_wait3A_129 = arith.constant 0 : i32
    %dma_wait3A_130 = tpu.memref_slice %arg3[%dma_wait3A_128, %dma_wait3A_129] : memref<100000x128xf32, #tpu.memory_space<hbm>> -> memref<100000x128xf32, #tpu.memory_space<hbm>>
    tpu.wait_indirect_dma semaphore(%arg11 : memref<!tpu.dma_semaphore, #tpu.memory_space<semaphore_mem>>) src(%dma_wait3A_130 : memref<100000x128xf32, #tpu.memory_space<hbm>>) dst(%arg8 : memref<256x128xf32, #tpu.memory_space<vmem>>)
    %add3A_131 = arith.constant 768 : i32
    %add3A_132 = arith.addi %mul3A_2, %add3A_131 : i32
    %dma_start3A_133 = arith.constant 0 : i32
    %dma_start3A_134 = arith.constant 0 : i32
    %dma_start3A_135 = tpu.memref_slice %arg6[%dma_start3A_133, %add3A_132, %dma_start3A_134] : memref<3x32768x128xf32, #tpu.memory_space<hbm>> -> memref<1x256x128xf32, #tpu.memory_space<hbm>>
    %dma_start3A_136 = tpu.memref_squeeze %dma_start3A_135 : memref<1x256x128xf32, #tpu.memory_space<hbm>> -> memref<256x128xf32, #tpu.memory_space<hbm>>
    %dma_start3A_137 = arith.constant 0 : i32
    %dma_start3A_138 = tpu.memref_slice %arg6[%dma_start3A_133, %add3A_132, %dma_start3A_137] : memref<3x32768x128xf32, #tpu.memory_space<hbm>> -> memref<1x256x128xf32, #tpu.memory_space<hbm>>
    %dma_start3A_139 = tpu.memref_squeeze %dma_start3A_138 : memref<1x256x128xf32, #tpu.memory_space<hbm>> -> memref<256x128xf32, #tpu.memory_space<hbm>>
    tpu.enqueue_dma source(%arg8 : memref<256x128xf32, #tpu.memory_space<vmem>>) target(%dma_start3A_139 : memref<256x128xf32, #tpu.memory_space<hbm>>) target_semaphore(%arg14 : memref<!tpu.dma_semaphore, #tpu.memory_space<semaphore_mem>>)
    %dma_wait3A_140 = arith.constant 0 : i32
    %dma_wait3A_141 = arith.constant 0 : i32
    %dma_wait3A_142 = tpu.memref_slice %arg6[%dma_wait3A_140, %add3A_132, %dma_wait3A_141] : memref<3x32768x128xf32, #tpu.memory_space<hbm>> -> memref<1x256x128xf32, #tpu.memory_space<hbm>>
    %dma_wait3A_143 = tpu.memref_squeeze %dma_wait3A_142 : memref<1x256x128xf32, #tpu.memory_space<hbm>> -> memref<256x128xf32, #tpu.memory_space<hbm>>
    %dma_wait3A_144 = arith.constant 0 : i32
    %dma_wait3A_145 = tpu.memref_slice %arg6[%dma_wait3A_140, %add3A_132, %dma_wait3A_144] : memref<3x32768x128xf32, #tpu.memory_space<hbm>> -> memref<1x256x128xf32, #tpu.memory_space<hbm>>
    %dma_wait3A_146 = tpu.memref_squeeze %dma_wait3A_145 : memref<1x256x128xf32, #tpu.memory_space<hbm>> -> memref<256x128xf32, #tpu.memory_space<hbm>>
    tpu.wait_dma2 semaphore(%arg14 : memref<!tpu.dma_semaphore, #tpu.memory_space<semaphore_mem>>) src(%arg8 : memref<256x128xf32, #tpu.memory_space<vmem>>) dst(%dma_wait3A_146 : memref<256x128xf32, #tpu.memory_space<hbm>>)
    %dma_start3A_147 = arith.constant 512 : i32
    %dma_start3A_148 = tpu.memref_slice %arg7[%dma_start3A_147] : memref<1024xi32, #tpu.memory_space<vmem>> -> memref<256xi32, #tpu.memory_space<vmem>>
    %dma_start3A_149 = arith.constant 0 : i32
    %dma_start3A_150 = arith.constant 0 : i32
    %dma_start3A_151 = tpu.memref_slice %arg4[%dma_start3A_149, %dma_start3A_150] : memref<100000x128xf32, #tpu.memory_space<hbm>> -> memref<100000x128xf32, #tpu.memory_space<hbm>>
    tpu.enqueue_indirect_dma source(%dma_start3A_151 : memref<100000x128xf32, #tpu.memory_space<hbm>>) target(%arg8 : memref<256x128xf32, #tpu.memory_space<vmem>>) offsets(%dma_start3A_148 : memref<256xi32, #tpu.memory_space<vmem>>) semaphore(%arg11 : memref<!tpu.dma_semaphore, #tpu.memory_space<semaphore_mem>>)
    %dma_wait3A_152 = arith.constant 0 : i32
    %dma_wait3A_153 = tpu.memref_slice %arg7[%dma_wait3A_152] : memref<1024xi32, #tpu.memory_space<vmem>> -> memref<256xi32, #tpu.memory_space<vmem>>
    %dma_wait3A_154 = arith.constant 0 : i32
    %dma_wait3A_155 = arith.constant 0 : i32
    %dma_wait3A_156 = tpu.memref_slice %arg4[%dma_wait3A_154, %dma_wait3A_155] : memref<100000x128xf32, #tpu.memory_space<hbm>> -> memref<100000x128xf32, #tpu.memory_space<hbm>>
    tpu.wait_indirect_dma semaphore(%arg12 : memref<!tpu.dma_semaphore, #tpu.memory_space<semaphore_mem>>) src(%dma_wait3A_156 : memref<100000x128xf32, #tpu.memory_space<hbm>>) dst(%arg9 : memref<256x128xf32, #tpu.memory_space<vmem>>)
    %add3A_157 = arith.constant 0 : i32
    %add3A_158 = arith.addi %mul3A_2, %add3A_157 : i32
    %dma_start3A_159 = arith.constant 1 : i32
    %dma_start3A_160 = arith.constant 0 : i32
    %dma_start3A_161 = tpu.memref_slice %arg6[%dma_start3A_159, %add3A_158, %dma_start3A_160] : memref<3x32768x128xf32, #tpu.memory_space<hbm>> -> memref<1x256x128xf32, #tpu.memory_space<hbm>>
    %dma_start3A_162 = tpu.memref_squeeze %dma_start3A_161 : memref<1x256x128xf32, #tpu.memory_space<hbm>> -> memref<256x128xf32, #tpu.memory_space<hbm>>
    %dma_start3A_163 = arith.constant 0 : i32
    %dma_start3A_164 = tpu.memref_slice %arg6[%dma_start3A_159, %add3A_158, %dma_start3A_163] : memref<3x32768x128xf32, #tpu.memory_space<hbm>> -> memref<1x256x128xf32, #tpu.memory_space<hbm>>
    %dma_start3A_165 = tpu.memref_squeeze %dma_start3A_164 : memref<1x256x128xf32, #tpu.memory_space<hbm>> -> memref<256x128xf32, #tpu.memory_space<hbm>>
    tpu.enqueue_dma source(%arg9 : memref<256x128xf32, #tpu.memory_space<vmem>>) target(%dma_start3A_165 : memref<256x128xf32, #tpu.memory_space<hbm>>) target_semaphore(%arg15 : memref<!tpu.dma_semaphore, #tpu.memory_space<semaphore_mem>>)
    %dma_wait3A_166 = arith.constant 1 : i32
    %dma_wait3A_167 = arith.constant 0 : i32
    %dma_wait3A_168 = tpu.memref_slice %arg6[%dma_wait3A_166, %add3A_158, %dma_wait3A_167] : memref<3x32768x128xf32, #tpu.memory_space<hbm>> -> memref<1x256x128xf32, #tpu.memory_space<hbm>>
    %dma_wait3A_169 = tpu.memref_squeeze %dma_wait3A_168 : memref<1x256x128xf32, #tpu.memory_space<hbm>> -> memref<256x128xf32, #tpu.memory_space<hbm>>
    %dma_wait3A_170 = arith.constant 0 : i32
    %dma_wait3A_171 = tpu.memref_slice %arg6[%dma_wait3A_166, %add3A_158, %dma_wait3A_170] : memref<3x32768x128xf32, #tpu.memory_space<hbm>> -> memref<1x256x128xf32, #tpu.memory_space<hbm>>
    %dma_wait3A_172 = tpu.memref_squeeze %dma_wait3A_171 : memref<1x256x128xf32, #tpu.memory_space<hbm>> -> memref<256x128xf32, #tpu.memory_space<hbm>>
    tpu.wait_dma2 semaphore(%arg15 : memref<!tpu.dma_semaphore, #tpu.memory_space<semaphore_mem>>) src(%arg9 : memref<256x128xf32, #tpu.memory_space<vmem>>) dst(%dma_wait3A_172 : memref<256x128xf32, #tpu.memory_space<hbm>>)
    %dma_start3A_173 = arith.constant 768 : i32
    %dma_start3A_174 = tpu.memref_slice %arg7[%dma_start3A_173] : memref<1024xi32, #tpu.memory_space<vmem>> -> memref<256xi32, #tpu.memory_space<vmem>>
    %dma_start3A_175 = arith.constant 0 : i32
    %dma_start3A_176 = arith.constant 0 : i32
    %dma_start3A_177 = tpu.memref_slice %arg4[%dma_start3A_175, %dma_start3A_176] : memref<100000x128xf32, #tpu.memory_space<hbm>> -> memref<100000x128xf32, #tpu.memory_space<hbm>>
    tpu.enqueue_indirect_dma source(%dma_start3A_177 : memref<100000x128xf32, #tpu.memory_space<hbm>>) target(%arg9 : memref<256x128xf32, #tpu.memory_space<vmem>>) offsets(%dma_start3A_174 : memref<256xi32, #tpu.memory_space<vmem>>) semaphore(%arg12 : memref<!tpu.dma_semaphore, #tpu.memory_space<semaphore_mem>>)
    %dma_wait3A_178 = arith.constant 256 : i32
    %dma_wait3A_179 = tpu.memref_slice %arg7[%dma_wait3A_178] : memref<1024xi32, #tpu.memory_space<vmem>> -> memref<256xi32, #tpu.memory_space<vmem>>
    %dma_wait3A_180 = arith.constant 0 : i32
    %dma_wait3A_181 = arith.constant 0 : i32
    %dma_wait3A_182 = tpu.memref_slice %arg4[%dma_wait3A_180, %dma_wait3A_181] : memref<100000x128xf32, #tpu.memory_space<hbm>> -> memref<100000x128xf32, #tpu.memory_space<hbm>>
    tpu.wait_indirect_dma semaphore(%arg13 : memref<!tpu.dma_semaphore, #tpu.memory_space<semaphore_mem>>) src(%dma_wait3A_182 : memref<100000x128xf32, #tpu.memory_space<hbm>>) dst(%arg10 : memref<256x128xf32, #tpu.memory_space<vmem>>)
    %add3A_183 = arith.constant 256 : i32
    %add3A_184 = arith.addi %mul3A_2, %add3A_183 : i32
    %dma_start3A_185 = arith.constant 1 : i32
    %dma_start3A_186 = arith.constant 0 : i32
    %dma_start3A_187 = tpu.memref_slice %arg6[%dma_start3A_185, %add3A_184, %dma_start3A_186] : memref<3x32768x128xf32, #tpu.memory_space<hbm>> -> memref<1x256x128xf32, #tpu.memory_space<hbm>>
    %dma_start3A_188 = tpu.memref_squeeze %dma_start3A_187 : memref<1x256x128xf32, #tpu.memory_space<hbm>> -> memref<256x128xf32, #tpu.memory_space<hbm>>
    %dma_start3A_189 = arith.constant 0 : i32
    %dma_start3A_190 = tpu.memref_slice %arg6[%dma_start3A_185, %add3A_184, %dma_start3A_189] : memref<3x32768x128xf32, #tpu.memory_space<hbm>> -> memref<1x256x128xf32, #tpu.memory_space<hbm>>
    %dma_start3A_191 = tpu.memref_squeeze %dma_start3A_190 : memref<1x256x128xf32, #tpu.memory_space<hbm>> -> memref<256x128xf32, #tpu.memory_space<hbm>>
    tpu.enqueue_dma source(%arg10 : memref<256x128xf32, #tpu.memory_space<vmem>>) target(%dma_start3A_191 : memref<256x128xf32, #tpu.memory_space<hbm>>) target_semaphore(%arg16 : memref<!tpu.dma_semaphore, #tpu.memory_space<semaphore_mem>>)
    %dma_wait3A_192 = arith.constant 1 : i32
    %dma_wait3A_193 = arith.constant 0 : i32
    %dma_wait3A_194 = tpu.memref_slice %arg6[%dma_wait3A_192, %add3A_184, %dma_wait3A_193] : memref<3x32768x128xf32, #tpu.memory_space<hbm>> -> memref<1x256x128xf32, #tpu.memory_space<hbm>>
    %dma_wait3A_195 = tpu.memref_squeeze %dma_wait3A_194 : memref<1x256x128xf32, #tpu.memory_space<hbm>> -> memref<256x128xf32, #tpu.memory_space<hbm>>
    %dma_wait3A_196 = arith.constant 0 : i32
    %dma_wait3A_197 = tpu.memref_slice %arg6[%dma_wait3A_192, %add3A_184, %dma_wait3A_196] : memref<3x32768x128xf32, #tpu.memory_space<hbm>> -> memref<1x256x128xf32, #tpu.memory_space<hbm>>
    %dma_wait3A_198 = tpu.memref_squeeze %dma_wait3A_197 : memref<1x256x128xf32, #tpu.memory_space<hbm>> -> memref<256x128xf32, #tpu.memory_space<hbm>>
    tpu.wait_dma2 semaphore(%arg16 : memref<!tpu.dma_semaphore, #tpu.memory_space<semaphore_mem>>) src(%arg10 : memref<256x128xf32, #tpu.memory_space<vmem>>) dst(%dma_wait3A_198 : memref<256x128xf32, #tpu.memory_space<hbm>>)
    %dma_start3A_199 = arith.constant 0 : i32
    %dma_start3A_200 = tpu.memref_slice %arg7[%dma_start3A_199] : memref<1024xi32, #tpu.memory_space<vmem>> -> memref<256xi32, #tpu.memory_space<vmem>>
    %dma_start3A_201 = arith.constant 0 : i32
    %dma_start3A_202 = arith.constant 0 : i32
    %dma_start3A_203 = tpu.memref_slice %arg5[%dma_start3A_201, %dma_start3A_202] : memref<100000x128xf32, #tpu.memory_space<hbm>> -> memref<100000x128xf32, #tpu.memory_space<hbm>>
    tpu.enqueue_indirect_dma source(%dma_start3A_203 : memref<100000x128xf32, #tpu.memory_space<hbm>>) target(%arg10 : memref<256x128xf32, #tpu.memory_space<vmem>>) offsets(%dma_start3A_200 : memref<256xi32, #tpu.memory_space<vmem>>) semaphore(%arg13 : memref<!tpu.dma_semaphore, #tpu.memory_space<semaphore_mem>>)
    %dma_wait3A_204 = arith.constant 512 : i32
    %dma_wait3A_205 = tpu.memref_slice %arg7[%dma_wait3A_204] : memref<1024xi32, #tpu.memory_space<vmem>> -> memref<256xi32, #tpu.memory_space<vmem>>
    %dma_wait3A_206 = arith.constant 0 : i32
    %dma_wait3A_207 = arith.constant 0 : i32
    %dma_wait3A_208 = tpu.memref_slice %arg4[%dma_wait3A_206, %dma_wait3A_207] : memref<100000x128xf32, #tpu.memory_space<hbm>> -> memref<100000x128xf32, #tpu.memory_space<hbm>>
    tpu.wait_indirect_dma semaphore(%arg11 : memref<!tpu.dma_semaphore, #tpu.memory_space<semaphore_mem>>) src(%dma_wait3A_208 : memref<100000x128xf32, #tpu.memory_space<hbm>>) dst(%arg8 : memref<256x128xf32, #tpu.memory_space<vmem>>)
    %add3A_209 = arith.constant 512 : i32
    %add3A_210 = arith.addi %mul3A_2, %add3A_209 : i32
    %dma_start3A_211 = arith.constant 1 : i32
    %dma_start3A_212 = arith.constant 0 : i32
    %dma_start3A_213 = tpu.memref_slice %arg6[%dma_start3A_211, %add3A_210, %dma_start3A_212] : memref<3x32768x128xf32, #tpu.memory_space<hbm>> -> memref<1x256x128xf32, #tpu.memory_space<hbm>>
    %dma_start3A_214 = tpu.memref_squeeze %dma_start3A_213 : memref<1x256x128xf32, #tpu.memory_space<hbm>> -> memref<256x128xf32, #tpu.memory_space<hbm>>
    %dma_start3A_215 = arith.constant 0 : i32
    %dma_start3A_216 = tpu.memref_slice %arg6[%dma_start3A_211, %add3A_210, %dma_start3A_215] : memref<3x32768x128xf32, #tpu.memory_space<hbm>> -> memref<1x256x128xf32, #tpu.memory_space<hbm>>
    %dma_start3A_217 = tpu.memref_squeeze %dma_start3A_216 : memref<1x256x128xf32, #tpu.memory_space<hbm>> -> memref<256x128xf32, #tpu.memory_space<hbm>>
    tpu.enqueue_dma source(%arg8 : memref<256x128xf32, #tpu.memory_space<vmem>>) target(%dma_start3A_217 : memref<256x128xf32, #tpu.memory_space<hbm>>) target_semaphore(%arg14 : memref<!tpu.dma_semaphore, #tpu.memory_space<semaphore_mem>>)
    %dma_wait3A_218 = arith.constant 1 : i32
    %dma_wait3A_219 = arith.constant 0 : i32
    %dma_wait3A_220 = tpu.memref_slice %arg6[%dma_wait3A_218, %add3A_210, %dma_wait3A_219] : memref<3x32768x128xf32, #tpu.memory_space<hbm>> -> memref<1x256x128xf32, #tpu.memory_space<hbm>>
    %dma_wait3A_221 = tpu.memref_squeeze %dma_wait3A_220 : memref<1x256x128xf32, #tpu.memory_space<hbm>> -> memref<256x128xf32, #tpu.memory_space<hbm>>
    %dma_wait3A_222 = arith.constant 0 : i32
    %dma_wait3A_223 = tpu.memref_slice %arg6[%dma_wait3A_218, %add3A_210, %dma_wait3A_222] : memref<3x32768x128xf32, #tpu.memory_space<hbm>> -> memref<1x256x128xf32, #tpu.memory_space<hbm>>
    %dma_wait3A_224 = tpu.memref_squeeze %dma_wait3A_223 : memref<1x256x128xf32, #tpu.memory_space<hbm>> -> memref<256x128xf32, #tpu.memory_space<hbm>>
    tpu.wait_dma2 semaphore(%arg14 : memref<!tpu.dma_semaphore, #tpu.memory_space<semaphore_mem>>) src(%arg8 : memref<256x128xf32, #tpu.memory_space<vmem>>) dst(%dma_wait3A_224 : memref<256x128xf32, #tpu.memory_space<hbm>>)
    %dma_start3A_225 = arith.constant 256 : i32
    %dma_start3A_226 = tpu.memref_slice %arg7[%dma_start3A_225] : memref<1024xi32, #tpu.memory_space<vmem>> -> memref<256xi32, #tpu.memory_space<vmem>>
    %dma_start3A_227 = arith.constant 0 : i32
    %dma_start3A_228 = arith.constant 0 : i32
    %dma_start3A_229 = tpu.memref_slice %arg5[%dma_start3A_227, %dma_start3A_228] : memref<100000x128xf32, #tpu.memory_space<hbm>> -> memref<100000x128xf32, #tpu.memory_space<hbm>>
    tpu.enqueue_indirect_dma source(%dma_start3A_229 : memref<100000x128xf32, #tpu.memory_space<hbm>>) target(%arg8 : memref<256x128xf32, #tpu.memory_space<vmem>>) offsets(%dma_start3A_226 : memref<256xi32, #tpu.memory_space<vmem>>) semaphore(%arg11 : memref<!tpu.dma_semaphore, #tpu.memory_space<semaphore_mem>>)
    %dma_wait3A_230 = arith.constant 768 : i32
    %dma_wait3A_231 = tpu.memref_slice %arg7[%dma_wait3A_230] : memref<1024xi32, #tpu.memory_space<vmem>> -> memref<256xi32, #tpu.memory_space<vmem>>
    %dma_wait3A_232 = arith.constant 0 : i32
    %dma_wait3A_233 = arith.constant 0 : i32
    %dma_wait3A_234 = tpu.memref_slice %arg4[%dma_wait3A_232, %dma_wait3A_233] : memref<100000x128xf32, #tpu.memory_space<hbm>> -> memref<100000x128xf32, #tpu.memory_space<hbm>>
    tpu.wait_indirect_dma semaphore(%arg12 : memref<!tpu.dma_semaphore, #tpu.memory_space<semaphore_mem>>) src(%dma_wait3A_234 : memref<100000x128xf32, #tpu.memory_space<hbm>>) dst(%arg9 : memref<256x128xf32, #tpu.memory_space<vmem>>)
    %add3A_235 = arith.constant 768 : i32
    %add3A_236 = arith.addi %mul3A_2, %add3A_235 : i32
    %dma_start3A_237 = arith.constant 1 : i32
    %dma_start3A_238 = arith.constant 0 : i32
    %dma_start3A_239 = tpu.memref_slice %arg6[%dma_start3A_237, %add3A_236, %dma_start3A_238] : memref<3x32768x128xf32, #tpu.memory_space<hbm>> -> memref<1x256x128xf32, #tpu.memory_space<hbm>>
    %dma_start3A_240 = tpu.memref_squeeze %dma_start3A_239 : memref<1x256x128xf32, #tpu.memory_space<hbm>> -> memref<256x128xf32, #tpu.memory_space<hbm>>
    %dma_start3A_241 = arith.constant 0 : i32
    %dma_start3A_242 = tpu.memref_slice %arg6[%dma_start3A_237, %add3A_236, %dma_start3A_241] : memref<3x32768x128xf32, #tpu.memory_space<hbm>> -> memref<1x256x128xf32, #tpu.memory_space<hbm>>
    %dma_start3A_243 = tpu.memref_squeeze %dma_start3A_242 : memref<1x256x128xf32, #tpu.memory_space<hbm>> -> memref<256x128xf32, #tpu.memory_space<hbm>>
    tpu.enqueue_dma source(%arg9 : memref<256x128xf32, #tpu.memory_space<vmem>>) target(%dma_start3A_243 : memref<256x128xf32, #tpu.memory_space<hbm>>) target_semaphore(%arg15 : memref<!tpu.dma_semaphore, #tpu.memory_space<semaphore_mem>>)
    %dma_wait3A_244 = arith.constant 1 : i32
    %dma_wait3A_245 = arith.constant 0 : i32
    %dma_wait3A_246 = tpu.memref_slice %arg6[%dma_wait3A_244, %add3A_236, %dma_wait3A_245] : memref<3x32768x128xf32, #tpu.memory_space<hbm>> -> memref<1x256x128xf32, #tpu.memory_space<hbm>>
    %dma_wait3A_247 = tpu.memref_squeeze %dma_wait3A_246 : memref<1x256x128xf32, #tpu.memory_space<hbm>> -> memref<256x128xf32, #tpu.memory_space<hbm>>
    %dma_wait3A_248 = arith.constant 0 : i32
    %dma_wait3A_249 = tpu.memref_slice %arg6[%dma_wait3A_244, %add3A_236, %dma_wait3A_248] : memref<3x32768x128xf32, #tpu.memory_space<hbm>> -> memref<1x256x128xf32, #tpu.memory_space<hbm>>
    %dma_wait3A_250 = tpu.memref_squeeze %dma_wait3A_249 : memref<1x256x128xf32, #tpu.memory_space<hbm>> -> memref<256x128xf32, #tpu.memory_space<hbm>>
    tpu.wait_dma2 semaphore(%arg15 : memref<!tpu.dma_semaphore, #tpu.memory_space<semaphore_mem>>) src(%arg9 : memref<256x128xf32, #tpu.memory_space<vmem>>) dst(%dma_wait3A_250 : memref<256x128xf32, #tpu.memory_space<hbm>>)
    %dma_start3A_251 = arith.constant 512 : i32
    %dma_start3A_252 = tpu.memref_slice %arg7[%dma_start3A_251] : memref<1024xi32, #tpu.memory_space<vmem>> -> memref<256xi32, #tpu.memory_space<vmem>>
    %dma_start3A_253 = arith.constant 0 : i32
    %dma_start3A_254 = arith.constant 0 : i32
    %dma_start3A_255 = tpu.memref_slice %arg5[%dma_start3A_253, %dma_start3A_254] : memref<100000x128xf32, #tpu.memory_space<hbm>> -> memref<100000x128xf32, #tpu.memory_space<hbm>>
    tpu.enqueue_indirect_dma source(%dma_start3A_255 : memref<100000x128xf32, #tpu.memory_space<hbm>>) target(%arg9 : memref<256x128xf32, #tpu.memory_space<vmem>>) offsets(%dma_start3A_252 : memref<256xi32, #tpu.memory_space<vmem>>) semaphore(%arg12 : memref<!tpu.dma_semaphore, #tpu.memory_space<semaphore_mem>>)
    %dma_wait3A_256 = arith.constant 0 : i32
    %dma_wait3A_257 = tpu.memref_slice %arg7[%dma_wait3A_256] : memref<1024xi32, #tpu.memory_space<vmem>> -> memref<256xi32, #tpu.memory_space<vmem>>
    %dma_wait3A_258 = arith.constant 0 : i32
    %dma_wait3A_259 = arith.constant 0 : i32
    %dma_wait3A_260 = tpu.memref_slice %arg5[%dma_wait3A_258, %dma_wait3A_259] : memref<100000x128xf32, #tpu.memory_space<hbm>> -> memref<100000x128xf32, #tpu.memory_space<hbm>>
    tpu.wait_indirect_dma semaphore(%arg13 : memref<!tpu.dma_semaphore, #tpu.memory_space<semaphore_mem>>) src(%dma_wait3A_260 : memref<100000x128xf32, #tpu.memory_space<hbm>>) dst(%arg10 : memref<256x128xf32, #tpu.memory_space<vmem>>)
    %add3A_261 = arith.constant 0 : i32
    %add3A_262 = arith.addi %mul3A_2, %add3A_261 : i32
    %dma_start3A_263 = arith.constant 2 : i32
    %dma_start3A_264 = arith.constant 0 : i32
    %dma_start3A_265 = tpu.memref_slice %arg6[%dma_start3A_263, %add3A_262, %dma_start3A_264] : memref<3x32768x128xf32, #tpu.memory_space<hbm>> -> memref<1x256x128xf32, #tpu.memory_space<hbm>>
    %dma_start3A_266 = tpu.memref_squeeze %dma_start3A_265 : memref<1x256x128xf32, #tpu.memory_space<hbm>> -> memref<256x128xf32, #tpu.memory_space<hbm>>
    %dma_start3A_267 = arith.constant 0 : i32
    %dma_start3A_268 = tpu.memref_slice %arg6[%dma_start3A_263, %add3A_262, %dma_start3A_267] : memref<3x32768x128xf32, #tpu.memory_space<hbm>> -> memref<1x256x128xf32, #tpu.memory_space<hbm>>
    %dma_start3A_269 = tpu.memref_squeeze %dma_start3A_268 : memref<1x256x128xf32, #tpu.memory_space<hbm>> -> memref<256x128xf32, #tpu.memory_space<hbm>>
    tpu.enqueue_dma source(%arg10 : memref<256x128xf32, #tpu.memory_space<vmem>>) target(%dma_start3A_269 : memref<256x128xf32, #tpu.memory_space<hbm>>) target_semaphore(%arg16 : memref<!tpu.dma_semaphore, #tpu.memory_space<semaphore_mem>>)
    %dma_wait3A_270 = arith.constant 2 : i32
    %dma_wait3A_271 = arith.constant 0 : i32
    %dma_wait3A_272 = tpu.memref_slice %arg6[%dma_wait3A_270, %add3A_262, %dma_wait3A_271] : memref<3x32768x128xf32, #tpu.memory_space<hbm>> -> memref<1x256x128xf32, #tpu.memory_space<hbm>>
    %dma_wait3A_273 = tpu.memref_squeeze %dma_wait3A_272 : memref<1x256x128xf32, #tpu.memory_space<hbm>> -> memref<256x128xf32, #tpu.memory_space<hbm>>
    %dma_wait3A_274 = arith.constant 0 : i32
    %dma_wait3A_275 = tpu.memref_slice %arg6[%dma_wait3A_270, %add3A_262, %dma_wait3A_274] : memref<3x32768x128xf32, #tpu.memory_space<hbm>> -> memref<1x256x128xf32, #tpu.memory_space<hbm>>
    %dma_wait3A_276 = tpu.memref_squeeze %dma_wait3A_275 : memref<1x256x128xf32, #tpu.memory_space<hbm>> -> memref<256x128xf32, #tpu.memory_space<hbm>>
    tpu.wait_dma2 semaphore(%arg16 : memref<!tpu.dma_semaphore, #tpu.memory_space<semaphore_mem>>) src(%arg10 : memref<256x128xf32, #tpu.memory_space<vmem>>) dst(%dma_wait3A_276 : memref<256x128xf32, #tpu.memory_space<hbm>>)
    %dma_start3A_277 = arith.constant 768 : i32
    %dma_start3A_278 = tpu.memref_slice %arg7[%dma_start3A_277] : memref<1024xi32, #tpu.memory_space<vmem>> -> memref<256xi32, #tpu.memory_space<vmem>>
    %dma_start3A_279 = arith.constant 0 : i32
    %dma_start3A_280 = arith.constant 0 : i32
    %dma_start3A_281 = tpu.memref_slice %arg5[%dma_start3A_279, %dma_start3A_280] : memref<100000x128xf32, #tpu.memory_space<hbm>> -> memref<100000x128xf32, #tpu.memory_space<hbm>>
    tpu.enqueue_indirect_dma source(%dma_start3A_281 : memref<100000x128xf32, #tpu.memory_space<hbm>>) target(%arg10 : memref<256x128xf32, #tpu.memory_space<vmem>>) offsets(%dma_start3A_278 : memref<256xi32, #tpu.memory_space<vmem>>) semaphore(%arg13 : memref<!tpu.dma_semaphore, #tpu.memory_space<semaphore_mem>>)
    %dma_wait3A_282 = arith.constant 256 : i32
    %dma_wait3A_283 = tpu.memref_slice %arg7[%dma_wait3A_282] : memref<1024xi32, #tpu.memory_space<vmem>> -> memref<256xi32, #tpu.memory_space<vmem>>
    %dma_wait3A_284 = arith.constant 0 : i32
    %dma_wait3A_285 = arith.constant 0 : i32
    %dma_wait3A_286 = tpu.memref_slice %arg5[%dma_wait3A_284, %dma_wait3A_285] : memref<100000x128xf32, #tpu.memory_space<hbm>> -> memref<100000x128xf32, #tpu.memory_space<hbm>>
    tpu.wait_indirect_dma semaphore(%arg11 : memref<!tpu.dma_semaphore, #tpu.memory_space<semaphore_mem>>) src(%dma_wait3A_286 : memref<100000x128xf32, #tpu.memory_space<hbm>>) dst(%arg8 : memref<256x128xf32, #tpu.memory_space<vmem>>)
    %add3A_287 = arith.constant 256 : i32
    %add3A_288 = arith.addi %mul3A_2, %add3A_287 : i32
    %dma_start3A_289 = arith.constant 2 : i32
    %dma_start3A_290 = arith.constant 0 : i32
    %dma_start3A_291 = tpu.memref_slice %arg6[%dma_start3A_289, %add3A_288, %dma_start3A_290] : memref<3x32768x128xf32, #tpu.memory_space<hbm>> -> memref<1x256x128xf32, #tpu.memory_space<hbm>>
    %dma_start3A_292 = tpu.memref_squeeze %dma_start3A_291 : memref<1x256x128xf32, #tpu.memory_space<hbm>> -> memref<256x128xf32, #tpu.memory_space<hbm>>
    %dma_start3A_293 = arith.constant 0 : i32
    %dma_start3A_294 = tpu.memref_slice %arg6[%dma_start3A_289, %add3A_288, %dma_start3A_293] : memref<3x32768x128xf32, #tpu.memory_space<hbm>> -> memref<1x256x128xf32, #tpu.memory_space<hbm>>
    %dma_start3A_295 = tpu.memref_squeeze %dma_start3A_294 : memref<1x256x128xf32, #tpu.memory_space<hbm>> -> memref<256x128xf32, #tpu.memory_space<hbm>>
    tpu.enqueue_dma source(%arg8 : memref<256x128xf32, #tpu.memory_space<vmem>>) target(%dma_start3A_295 : memref<256x128xf32, #tpu.memory_space<hbm>>) target_semaphore(%arg14 : memref<!tpu.dma_semaphore, #tpu.memory_space<semaphore_mem>>)
    %dma_wait3A_296 = arith.constant 512 : i32
    %dma_wait3A_297 = tpu.memref_slice %arg7[%dma_wait3A_296] : memref<1024xi32, #tpu.memory_space<vmem>> -> memref<256xi32, #tpu.memory_space<vmem>>
    %dma_wait3A_298 = arith.constant 0 : i32
    %dma_wait3A_299 = arith.constant 0 : i32
    %dma_wait3A_300 = tpu.memref_slice %arg5[%dma_wait3A_298, %dma_wait3A_299] : memref<100000x128xf32, #tpu.memory_space<hbm>> -> memref<100000x128xf32, #tpu.memory_space<hbm>>
    tpu.wait_indirect_dma semaphore(%arg12 : memref<!tpu.dma_semaphore, #tpu.memory_space<semaphore_mem>>) src(%dma_wait3A_300 : memref<100000x128xf32, #tpu.memory_space<hbm>>) dst(%arg9 : memref<256x128xf32, #tpu.memory_space<vmem>>)
    %add3A_301 = arith.constant 512 : i32
    %add3A_302 = arith.addi %mul3A_2, %add3A_301 : i32
    %dma_start3A_303 = arith.constant 2 : i32
    %dma_start3A_304 = arith.constant 0 : i32
    %dma_start3A_305 = tpu.memref_slice %arg6[%dma_start3A_303, %add3A_302, %dma_start3A_304] : memref<3x32768x128xf32, #tpu.memory_space<hbm>> -> memref<1x256x128xf32, #tpu.memory_space<hbm>>
    %dma_start3A_306 = tpu.memref_squeeze %dma_start3A_305 : memref<1x256x128xf32, #tpu.memory_space<hbm>> -> memref<256x128xf32, #tpu.memory_space<hbm>>
    %dma_start3A_307 = arith.constant 0 : i32
    %dma_start3A_308 = tpu.memref_slice %arg6[%dma_start3A_303, %add3A_302, %dma_start3A_307] : memref<3x32768x128xf32, #tpu.memory_space<hbm>> -> memref<1x256x128xf32, #tpu.memory_space<hbm>>
    %dma_start3A_309 = tpu.memref_squeeze %dma_start3A_308 : memref<1x256x128xf32, #tpu.memory_space<hbm>> -> memref<256x128xf32, #tpu.memory_space<hbm>>
    tpu.enqueue_dma source(%arg9 : memref<256x128xf32, #tpu.memory_space<vmem>>) target(%dma_start3A_309 : memref<256x128xf32, #tpu.memory_space<hbm>>) target_semaphore(%arg15 : memref<!tpu.dma_semaphore, #tpu.memory_space<semaphore_mem>>)
    %dma_wait3A_310 = arith.constant 768 : i32
    %dma_wait3A_311 = tpu.memref_slice %arg7[%dma_wait3A_310] : memref<1024xi32, #tpu.memory_space<vmem>> -> memref<256xi32, #tpu.memory_space<vmem>>
    %dma_wait3A_312 = arith.constant 0 : i32
    %dma_wait3A_313 = arith.constant 0 : i32
    %dma_wait3A_314 = tpu.memref_slice %arg5[%dma_wait3A_312, %dma_wait3A_313] : memref<100000x128xf32, #tpu.memory_space<hbm>> -> memref<100000x128xf32, #tpu.memory_space<hbm>>
    tpu.wait_indirect_dma semaphore(%arg13 : memref<!tpu.dma_semaphore, #tpu.memory_space<semaphore_mem>>) src(%dma_wait3A_314 : memref<100000x128xf32, #tpu.memory_space<hbm>>) dst(%arg10 : memref<256x128xf32, #tpu.memory_space<vmem>>)
    %add3A_315 = arith.constant 768 : i32
    %add3A_316 = arith.addi %mul3A_2, %add3A_315 : i32
    %dma_start3A_317 = arith.constant 2 : i32
    %dma_start3A_318 = arith.constant 0 : i32
    %dma_start3A_319 = tpu.memref_slice %arg6[%dma_start3A_317, %add3A_316, %dma_start3A_318] : memref<3x32768x128xf32, #tpu.memory_space<hbm>> -> memref<1x256x128xf32, #tpu.memory_space<hbm>>
    %dma_start3A_320 = tpu.memref_squeeze %dma_start3A_319 : memref<1x256x128xf32, #tpu.memory_space<hbm>> -> memref<256x128xf32, #tpu.memory_space<hbm>>
    %dma_start3A_321 = arith.constant 0 : i32
    %dma_start3A_322 = tpu.memref_slice %arg6[%dma_start3A_317, %add3A_316, %dma_start3A_321] : memref<3x32768x128xf32, #tpu.memory_space<hbm>> -> memref<1x256x128xf32, #tpu.memory_space<hbm>>
    %dma_start3A_323 = tpu.memref_squeeze %dma_start3A_322 : memref<1x256x128xf32, #tpu.memory_space<hbm>> -> memref<256x128xf32, #tpu.memory_space<hbm>>
    tpu.enqueue_dma source(%arg10 : memref<256x128xf32, #tpu.memory_space<vmem>>) target(%dma_start3A_323 : memref<256x128xf32, #tpu.memory_space<hbm>>) target_semaphore(%arg16 : memref<!tpu.dma_semaphore, #tpu.memory_space<semaphore_mem>>)
    %dma_wait3A_324 = arith.constant 2 : i32
    %dma_wait3A_325 = arith.constant 0 : i32
    %dma_wait3A_326 = tpu.memref_slice %arg6[%dma_wait3A_324, %add3A_288, %dma_wait3A_325] : memref<3x32768x128xf32, #tpu.memory_space<hbm>> -> memref<1x256x128xf32, #tpu.memory_space<hbm>>
    %dma_wait3A_327 = tpu.memref_squeeze %dma_wait3A_326 : memref<1x256x128xf32, #tpu.memory_space<hbm>> -> memref<256x128xf32, #tpu.memory_space<hbm>>
    %dma_wait3A_328 = arith.constant 0 : i32
    %dma_wait3A_329 = tpu.memref_slice %arg6[%dma_wait3A_324, %add3A_288, %dma_wait3A_328] : memref<3x32768x128xf32, #tpu.memory_space<hbm>> -> memref<1x256x128xf32, #tpu.memory_space<hbm>>
    %dma_wait3A_330 = tpu.memref_squeeze %dma_wait3A_329 : memref<1x256x128xf32, #tpu.memory_space<hbm>> -> memref<256x128xf32, #tpu.memory_space<hbm>>
    tpu.wait_dma2 semaphore(%arg14 : memref<!tpu.dma_semaphore, #tpu.memory_space<semaphore_mem>>) src(%arg8 : memref<256x128xf32, #tpu.memory_space<vmem>>) dst(%dma_wait3A_330 : memref<256x128xf32, #tpu.memory_space<hbm>>)
    %dma_wait3A_331 = arith.constant 2 : i32
    %dma_wait3A_332 = arith.constant 0 : i32
    %dma_wait3A_333 = tpu.memref_slice %arg6[%dma_wait3A_331, %add3A_302, %dma_wait3A_332] : memref<3x32768x128xf32, #tpu.memory_space<hbm>> -> memref<1x256x128xf32, #tpu.memory_space<hbm>>
    %dma_wait3A_334 = tpu.memref_squeeze %dma_wait3A_333 : memref<1x256x128xf32, #tpu.memory_space<hbm>> -> memref<256x128xf32, #tpu.memory_space<hbm>>
    %dma_wait3A_335 = arith.constant 0 : i32
    %dma_wait3A_336 = tpu.memref_slice %arg6[%dma_wait3A_331, %add3A_302, %dma_wait3A_335] : memref<3x32768x128xf32, #tpu.memory_space<hbm>> -> memref<1x256x128xf32, #tpu.memory_space<hbm>>
    %dma_wait3A_337 = tpu.memref_squeeze %dma_wait3A_336 : memref<1x256x128xf32, #tpu.memory_space<hbm>> -> memref<256x128xf32, #tpu.memory_space<hbm>>
    tpu.wait_dma2 semaphore(%arg15 : memref<!tpu.dma_semaphore, #tpu.memory_space<semaphore_mem>>) src(%arg9 : memref<256x128xf32, #tpu.memory_space<vmem>>) dst(%dma_wait3A_337 : memref<256x128xf32, #tpu.memory_space<hbm>>)
    %dma_wait3A_338 = arith.constant 2 : i32
    %dma_wait3A_339 = arith.constant 0 : i32
    %dma_wait3A_340 = tpu.memref_slice %arg6[%dma_wait3A_338, %add3A_316, %dma_wait3A_339] : memref<3x32768x128xf32, #tpu.memory_space<hbm>> -> memref<1x256x128xf32, #tpu.memory_space<hbm>>
    %dma_wait3A_341 = tpu.memref_squeeze %dma_wait3A_340 : memref<1x256x128xf32, #tpu.memory_space<hbm>> -> memref<256x128xf32, #tpu.memory_space<hbm>>
    %dma_wait3A_342 = arith.constant 0 : i32
    %dma_wait3A_343 = tpu.memref_slice %arg6[%dma_wait3A_338, %add3A_316, %dma_wait3A_342] : memref<3x32768x128xf32, #tpu.memory_space<hbm>> -> memref<1x256x128xf32, #tpu.memory_space<hbm>>
    %dma_wait3A_344 = tpu.memref_squeeze %dma_wait3A_343 : memref<1x256x128xf32, #tpu.memory_space<hbm>> -> memref<256x128xf32, #tpu.memory_space<hbm>>
    tpu.wait_dma2 semaphore(%arg16 : memref<!tpu.dma_semaphore, #tpu.memory_space<semaphore_mem>>) src(%arg10 : memref<256x128xf32, #tpu.memory_space<vmem>>) dst(%dma_wait3A_344 : memref<256x128xf32, #tpu.memory_space<hbm>>)
    return
  }
}

</mosaic_0001>

<sc_bundles>
// kernel: kernel.3.cloned.1.call-start
scs
__scs_entry_jumppad:
0x0: {  	(pc) =	sbr.rel $0x88, $3  }
0x1: {  	(tag) =	ssettag $0x0;
	lr =	simm.s32 $0x1  }
0x2: {  	[smem:$0x3F9D] =	sst lr;
	_ =	strace $0xD0000000  }
0x3: {  	_ = 	snop  }
0x4: {  	_ = 	snop  }
0x5: {  	_ = 	snop  }
0x6: {  	_ = 	snop  }
0x7: {  	_ = 	snop  }
__scs_overlays_trampoline_lowered:
0x8: {  	[smem:$0x3FAC] =	sst s0  }
0x9: {  	[smem:$0x3FAD] =	sst s1  }
0xa: {  	[smem:$0x3FAE] =	sst s2  }
0xb: {  	[smem:$0x3FAF] =	sst s3  }
0xc: {  	[smem:$0x3FB0] =	sst s4  }
0xd: {  	[smem:$0x3FB1] =	sst s5  }
0xe: {  	[smem:$0x3FB2] =	sst s6  }
0xf: {  	[smem:$0x3FB3] =	sst s7  }
0x10: {  	[smem:$0x3FB4] =	sst s8  }
0x11: {  	[smem:$0x3FB5] =	sst s9;
	s0 =	simm.s32 @!p0 $0x0  }
0x12: {  	s1 =	sld [smem:$0x3F9B];
	s0 =	simm.s32 @p0 $0x1  }
0x13: {  	[smem:$0x3FB6] =	sst s0;
	s0 =	simm.s32 @!p1 $0x0  }
0x14: {  	s2 =	sld [smem:$0x3F9A];
	s0 =	simm.s32 @p1 $0x1  }
0x15: {  	[smem:$0x3FB7] =	sst s0;
	s0 =	simm.s32 @!p2 $0x0  }
0x16: {  	s3 =	sld [smem:$0x3FDB];
	s0 =	simm.s32 @p2 $0x1  }
0x17: {  	s4 =	simm.s32 $0x1BF5;
	[smem:$0x3FB9] =	sst s0  }
0x18: {  	s0 =	sld [smem:$0x3F9C];
	_ =	swait.ge [sflag:s4], $0x0  }
0x19: {  	s7 =	sld [smem:$0x3F9D]  }
0x1a: {  	s8 =	sadd.s32 $0xFFFFE003, lr  }
0x1b: {  	s9 =	sadd.s32 $0xFFFFFEF7, lr;
	s5 =	simm.s32 $0xFFFFFFFF;
	p2 =	slt.u32 s8, $0xFFFFF086  }
0x1c: {  	p1 =	slt.u32 s9, $0xF7A;
	s5 =	simm.s32 @!p2 $0x0  }
0x1d: {  	s5 =	simm.s32 @p1 $0x1;
	p0 =	seq.s32 s7, s2  }
0x1e: {  	s7 =	smul.u32 @!p0 $0xF7A, s2;
	p2 =	seq.s32 @!p0 s5, $0x0  }
0x1f: {  	s9 =	smul.u32 $0xF7A, s1;
	s8 =	simm.s32 @!p0 $0x1BF5;
	p2 =	por !p2, p0  }
0x20: {  	[sflag:s8] =	ssyncset.s32 @!p0 $0xFFFFF086;
	s6 =	sadd.s32 @!p0 s3, s7;
	s7 =	simm.s32 @!p0 $0x108  }
0x21: {  	s3 =	sadd.s32 s3, s9;
	s6 =	sadd.s32 @!p0 $0x88, s6;
	s7 =	simm.s32 @p2 $0x1082  }
0x22: {  	[simem:s7], [sflag:s8] =	dma.local @!p0 [hbm:s6], $0xF7A  }
0x23: {  	s9 =	sor.u32 $0xD0000000, s2;
	s6 =	simm.s32 $0x108;
	_ =	swait.ge @!p0 [sflag:s8], $0x0  }
0x24: {  	s3 =	sadd.s32 $0x88, s3;
	s6 =	simm.s32 @!p1 $0x1082;
	[sflag:s4] =	ssyncset.s32 $0xFFFFF086  }
0x25: {  	[simem:s6], [sflag:s4] =	dma.local [hbm:s3], $0xF7A  }
0x26: {  	[smem:$0x3F9D] =	sst s1;
	(tag) =	ssettag s2;
	_ =	strace s9  }
0x27: {  	s1 =	sld [smem:$0x3FAD]  }
0x28: {  	s2 =	sld [smem:$0x3FAE]  }
0x29: {  	s4 =	sld [smem:$0x3FB0]  }
0x2a: {  	p0 =	seq.s32 s5, $0x0;
	s5 =	sld [smem:$0x3FB1]  }
0x2b: {  	s6 =	sld [smem:$0x3FB2]  }
0x2c: {  	s7 =	sld [smem:$0x3FB3]  }
0x2d: {  	s3 =	simm.s32 $0x108;
	s8 =	sld [smem:$0x3FB4]  }
0x2e: {  	s3 =	simm.s32 @!p0 $0x1082;
	s9 =	sld [smem:$0x3FB5]  }
0x2f: {  	lr =	sadd.s32 s0, s3;
	s0 =	sld [smem:$0x3FAC]  }
0x30: {  	s3 =	sld [smem:$0x3FAF]  }
0x31: {  	[smem:$0x3FB8] =	sst s10  }
0x32: {  	s10 =	sld [smem:$0x3FB6];
	_ =	sdelay $0x3  }
0x33: {  	p0 =	seq.s32 s10, $0x1;
	s10 =	sld [smem:$0x3FB8];
	_ =	sdelay $0x3  }
0x34: {  	[smem:$0x3FB8] =	sst s10  }
0x35: {  	s10 =	sld [smem:$0x3FB7];
	_ =	sdelay $0x3  }
0x36: {  	p1 =	seq.s32 s10, $0x1;
	s10 =	sld [smem:$0x3FB8];
	_ =	sdelay $0x3  }
0x37: {  	[smem:$0x3FB8] =	sst s10  }
0x38: {  	s10 =	sld [smem:$0x3FB9]  }
0x39: {  	_ = 	snop;
	(pc) =	sbr.ind lr, $3  }
0x3a: {  	_ = 	snop  }
0x3b: {  	_ = 	snop  }
0x3c: {  	p2 =	seq.s32 s10, $0x1;
	s10 =	sld [smem:$0x3FB8]  }
0x3d: {  	_ =	shalt  }
0x3e: {  	_ =	shalt  }
0x3f: {  	_ =	shalt  }
0x40: {  	_ =	shalt  }
0x41: {  	_ =	shalt  }
0x42: {  	_ =	shalt  }
0x43: {  	_ =	shalt  }
0x44: {  	_ =	shalt  }
0x45: {  	_ =	shalt  }
0x46: {  	_ =	shalt  }
0x47: {  	_ =	shalt  }
0x48: {  	_ =	shalt  }
0x49: {  	_ =	shalt  }
0x4a: {  	_ =	shalt  }
0x4b: {  	_ =	shalt  }
0x4c: {  	_ =	shalt  }
0x4d: {  	_ =	shalt  }
0x4e: {  	_ =	shalt  }
0x4f: {  	_ =	shalt  }
0x50: {  	_ =	shalt  }
0x51: {  	_ =	shalt  }
0x52: {  	_ =	shalt  }
0x53: {  	_ =	shalt  }
0x54: {  	_ =	shalt  }
0x55: {  	_ =	shalt  }
0x56: {  	_ =	shalt  }
0x57: {  	_ =	shalt  }
0x58: {  	_ =	shalt  }
0x59: {  	_ =	shalt  }
0x5a: {  	_ =	shalt  }
0x5b: {  	_ =	shalt  }
0x5c: {  	_ =	shalt  }
0x5d: {  	_ =	shalt  }
0x5e: {  	_ =	shalt  }
0x5f: {  	_ =	shalt  }
0x60: {  	_ =	shalt  }
0x61: {  	_ =	shalt  }
0x62: {  	_ =	shalt  }
0x63: {  	_ =	shalt  }
0x64: {  	_ =	shalt  }
0x65: {  	_ =	shalt  }
0x66: {  	_ =	shalt  }
0x67: {  	_ =	shalt  }
0x68: {  	_ =	shalt  }
0x69: {  	_ =	shalt  }
0x6a: {  	_ =	shalt  }
0x6b: {  	_ =	shalt  }
0x6c: {  	_ =	shalt  }
0x6d: {  	_ =	shalt  }
0x6e: {  	_ =	shalt  }
0x6f: {  	_ =	shalt  }
0x70: {  	_ =	shalt  }
0x71: {  	_ =	shalt  }
0x72: {  	_ =	shalt  }
0x73: {  	_ =	shalt  }
0x74: {  	_ =	shalt  }
0x75: {  	_ =	shalt  }
0x76: {  	_ =	shalt  }
0x77: {  	_ =	shalt  }
0x78: {  	_ =	shalt  }
0x79: {  	_ =	shalt  }
0x7a: {  	_ =	shalt  }
0x7b: {  	_ =	shalt  }
0x7c: {  	_ =	shalt  }
0x7d: {  	_ =	shalt  }
0x7e: {  	_ =	shalt  }
0x7f: {  	_ =	shalt  }
0x80: {  	_ =	shalt  }
0x81: {  	_ =	shalt  }
0x82: {  	_ =	shalt  }
0x83: {  	_ =	shalt  }
0x84: {  	_ =	shalt  }
0x85: {  	_ =	shalt  }
0x86: {  	_ =	shalt  }
0x87: {  	_ =	shalt  }
.Lfunc_end0:
.L_simem_size_0:
called_computation_lowered:
.L_overlay_start_0:
0x88: {  	s2 =	sld [smem:$0x3FD9]  }
0x89: {  	s3 =	sld [smem:$0x3FFE];
	_ =	sdelay $0x1  }
0x8a: {  	s1 =	srdreg.scid  }
0x8b: {  	s0 =	sand.u32 $0x1, s1  }
0x8c: {  	s18 =	sshll.u32 s0, $0xA;
	s2 =	sadd.s32 s3, s2  }
0x8d: {  	s2 =	sadd.s32 s2, s18  }
0x8e: {  	[smem:$0x3FC4] =	sst s2  }
0x8f: {  	_ = 	snop  }
0x90: {  	s2 =	sld [smem:$0x3FC9]  }
0x91: {  	s19 =	sld [smem:$0x3FC8]  }
0x92: {  	s4 =	sld [smem:$0x3FC7]  }
0x93: {  	s5 =	sld [smem:$0x3FC6]  }
0x94: {  	s6 =	sld [smem:$0x3FD0];
	(tm) =	ssettm $0x1  }
0x95: {  	s7 =	sld [smem:$0x3FFB];
	_ =	sdelay $0x3  }
0x96: {  	_ =	strace s7  }
0x97: {  	s7 =	sld [smem:$0x3FFC];
	_ =	sdelay $0x3  }
0x98: {  	_ =	strace s7  }
0x99: {  	s7 =	sld [smem:$0x3FFD];
	_ =	sdelay $0x3  }
0x9a: {  	_ =	strace s7  }
0x9b: {  	_ =	strace $0x8FFFFFFF  }
0x9c: {  	s20 =	sld [smem:$0x3FDB];
	_ =	sdelay $0x1  }
0x9d: {  	s8 =	simm.s32 $_scs_section_size  }
0x9e: {  	s9 =	simm.s32 $_size__tile_overlayer_lowered;
	s10 =	simm.s32 $_tile_overlayer_lowered  }
0x9f: {  	s23 =	simm.s32 $0x1BFF;
	s22 =	sshll.u32 s10, $0x1;
	s7 =	sadd.s32 s8, s20  }
0xa0: {  	s11 =	simm.s32 $0x0;
	s21 =	sshll.u32 s9, $0x1;
	s9 =	sadd.s32 s22, s7  }
0xa1: {  	[timem:s11], [sflag:s23] =	dma.local [hbm:s9], s21  }
0xa2: {  	_ =	swait.ge [sflag:s23], s21  }
0xa3: {  	s8 =	ssub.s32 $0x0, s21;
	[sflag:s23] =	ssyncset.done $0x0  }
0xa4: {  	[sflag:s23] =	ssyncadd.s32 s8;
	_ =	sdelay $0x1  }
0xa5: {  	s24 =	simm.s32 $0x1B8B  }
0xa6: {  	_ =	swait.ge [sflag:s24], $0x1  }
0xa7: {  	[sflag:s24] =	ssyncset.done $0x0  }
0xa8: {  	s25 =	simm.s32 $0x1B8E;
	[sflag:s24] =	ssyncadd.s32 $0xFFFFFFFF  }
0xa9: {  	s26 =	simm.s32 $execute0_lowered;
	[smem:$0x3FD2] =	sst s25  }
0xaa: {  	s8 =	sshll.u32 s26, $0x1;
	_ =	strace $0x80000046;
	[dreg:$0x1] =	wrdreg $0xFFFFFFFF  }
0xab: {  	s28 =	simm.s32 $_size_execute0_lowered;
	s7 =	sadd.s32 s7, s8;
	[dreg:$0x0] =	wrdreg $0x0  }
0xac: {  	s8 =	sshll.u32 s28, $0x1;
	[dreg:$0x2] =	wrdreg s7  }
0xad: {  	[dreg:$0x3] =	wrdreg s8  }
0xae: {  	[dreg:$0x4] =	wrdreg $0xC0  }
0xaf: {  	_ =	task [dreg:s11], $0x5FFFF  }
0xb0: {  	[dreg:$0x1] =	wrdreg $0xFFFFFFFF  }
0xb1: {  	[dreg:$0x0] =	wrdreg $0x60  }
0xb2: {  	[dreg:$0x2] =	wrdreg s2  }
0xb3: {  	[dreg:$0x3] =	wrdreg s19  }
0xb4: {  	[dreg:$0x4] =	wrdreg s4  }
0xb5: {  	[dreg:$0x5] =	wrdreg s5  }
0xb6: {  	[dreg:$0x6] =	wrdreg s6  }
0xb7: {  	[dreg:$0x7] =	wrdreg $0x9  }
0xb8: {  	_ =	task.clear_ibuf [dreg:s11], $0x8FFFF;
	_ =	strace $0x90000046  }
0xb9: {  	s29 =	simm.s32 $0x9;
	_ =	strace $0x80000048  }
0xba: {  	_ =	swait.ge [sflag:s29], $0x1  }
0xbb: {  	[sflag:s29] =	ssyncadd.s32 $0xFFFFFFFF  }
0xbc: {  	_ =	strace $0x90000048  }
0xbd: {  	_ =	sfence  }
0xbe: {  	s30 =	sld [smem:$0x0];
	_ =	sdelay $0x2  }
0xbf: {  	s31 =	sshll.u32 s1, $0xD;
	s1 =	sshrl.u32 s1, $0x2  }
0xc0: {  	s3 =	sand.u32 $0x4000, s31;
	s1 =	sadd.s32 s1, s30  }
0xc1: {  	s0 =	sor.u32 s3, s0;
	s1 =	sshll.u32 s1, $0x11  }
0xc2: {  	s0 =	sor.u32 s1, s0  }
0xc3: {  	s0 =	sadd.s32 $0x8F2B, s0  }
0xc4: {  	[sflag:s0] =	ssyncadd.remote.s32 $0x1  }
0xc5: {  	_ =	sfence.sel $0xFFFF  }
0xc6: {  	[dreg:$0x0] =	wrdreg $0xFFFFFFFF;
	(pc) =	sbr.abs _section_cstart, $3  }
0xc7: {  	[dreg:$0x1] =	wrdreg $0xFFFFFFFF  }
0xc8: {  	_ =	task.clear_ibuf [dreg:s11], $0x2FFFF;
	_ =	strace $0x9FFFFFFF  }
0xc9: {  	(tm) =	ssettm $0x7FFFFFFF  }
tec
execute0_lowered:
.L_overlay_start_1:
0x0: {  	(tag) =	ssettag $0x1  }
0x1: {  	s6 =	rddreg [dreg:$0x0]  }
0x2: {  	s2 =	rddreg [dreg:$0x1]  }
0x3: {  	s1 =	srdreg.scid;
	s0 =	stileid.u32  }
0x4: {  	s3 =	rddreg [dreg:$0x2];
	s1 =	sand.u32 $0x1, s1;
	s5 =	sshll.u32 s0, $0x1  }
0x5: {  	s4 =	rddreg [dreg:$0x3];
	s9 =	sshll.u32 s0, $0x2;
	s8 =	sor.u32 s1, s5  }
0x6: {  	s7 =	rddreg [dreg:$0x4];
	s9 =	sand.u32 $0x30, s9;
	s10 =	sshll.u32 s8, $0x9  }
0x7: {  	s5 =	simm.s32 $0x0;
	s6 =	sadd.s32 s6, s9;
	s10 =	sand.u32 $0xE00, s10  }
0x8: {  	[smem:$0x7FF] =	sst s5;
	s8 =	sshll.u32 s8, $0xE;
	s6 =	sadd.s32 s10, s6  }
0x9: {  	_ =	strace $0x80000047;
	[dreg:$0x6] =	wrdreg s6;
	s6 =	sadd.s32 s7, s8  }
0xa: {  	s9 =	simm.s32 $0x7;
	s7 =	sadd.s32 $0x1000, s6;
	s26 =	rddreg [dreg:$0x6]  }
0xb: {  	s8 =	simm.s32 $0x200;
	[dreg:$0x7] =	wrdreg s7;
	s7 =	simm.s32 $0x80  }
0xc: {  	[tilespmem:s5], [sflag:$0x7] =	stream.strided.gather [hbm4b:s26+s7], $0x400, s8, s7, $0x38;
	[tilespmem:$0x18400] =	vst v63  }
0xd: {  	_ =	swait.ge [sflag:s9], $0x400  }
0xe: {  	[sflag:s9] =	ssyncset.done $0x0  }
0xf: {  	s11 =	simm.s32 $0x400;
	s10 =	simm.s32 $0x100;
	[sflag:s9] =	ssyncadd.s32 $0xFFFFFC00  }
0x10: {  	[tilespmem:s11], [sflag:$0x1] =	stream.indirect.gather [hbm4b:s2+s10], $0x80, s5, s10, $0xb8;
	[tilespmem:$0x18400] =	vst v63  }
0x11: {  	s12 =	simm.s32 $0x8400  }
0x12: {  	[tilespmem:s12], [sflag:$0x2] =	stream.indirect.gather [hbm4b:s2+s10], $0x80, s10, s10, $0xb8;
	[tilespmem:$0x18400] =	vst v63  }
0x13: {  	s13 =	simm.s32 $0x10400;
	s14 =	simm.s32 $0x1  }
0x14: {  	[tilespmem:s13], [sflag:$0x3] =	stream.indirect.gather [hbm4b:s2+s10], $0x80, s8, s10, $0xb8;
	[tilespmem:$0x18400] =	vst v63  }
0x15: {  	_ =	swait.ge [sflag:s14], $0x8000  }
0x16: {  	[sflag:s14] =	ssyncset.done $0x0  }
0x17: {  	s15 =	simm.s32 $0x4;
	[sflag:s14] =	ssyncadd.s32 $0xFFFF8000  }
0x18: {  	[hbm4b:s6+s5] =	stream.linear.scatter [tilespmem:s11], [sflag:$0x4], $0x8000, $0x38;
	[tilespmem:$0x18400] =	vst v63  }
0x19: {  	_ =	swait.ge [sflag:s15], $0x8000  }
0x1a: {  	[sflag:s15] =	ssyncset.done $0x0  }
0x1b: {  	s16 =	simm.s32 $0x300;
	s17 =	simm.s32 $0x2;
	[sflag:s15] =	ssyncadd.s32 $0xFFFF8000  }
0x1c: {  	[tilespmem:s11], [sflag:$0x1] =	stream.indirect.gather [hbm4b:s2+s10], $0x80, s16, s10, $0xb8;
	[tilespmem:$0x18400] =	vst v63  }
0x1d: {  	_ =	swait.ge [sflag:s17], $0x8000  }
0x1e: {  	[sflag:s17] =	ssyncset.done $0x0  }
0x1f: {  	s18 =	simm.s32 $0x5;
	s19 =	rddreg [dreg:$0x7];
	[sflag:s17] =	ssyncadd.s32 $0xFFFF8000  }
0x20: {  	[hbm4b:s19+s5] =	stream.linear.scatter [tilespmem:s12], [sflag:$0x5], $0x8000, $0x38;
	[tilespmem:$0x18400] =	vst v63  }
0x21: {  	_ =	swait.ge [sflag:s18], $0x8000  }
0x22: {  	[sflag:s18] =	ssyncset.done $0x0  }
0x23: {  	s19 =	simm.s32 $0x3;
	[sflag:s18] =	ssyncadd.s32 $0xFFFF8000  }
0x24: {  	[tilespmem:s12], [sflag:$0x2] =	stream.indirect.gather [hbm4b:s3+s10], $0x80, s5, s10, $0xb8;
	[tilespmem:$0x18400] =	vst v63  }
0x25: {  	_ =	swait.ge [sflag:s19], $0x8000  }
0x26: {  	[sflag:s19] =	ssyncset.done $0x0  }
0x27: {  	s20 =	simm.s32 $0x6;
	s21 =	sadd.s32 $0x2000, s6;
	[sflag:s19] =	ssyncadd.s32 $0xFFFF8000  }
0x28: {  	[hbm4b:s21+s5] =	stream.linear.scatter [tilespmem:s13], [sflag:$0x6], $0x8000, $0x38;
	[tilespmem:$0x18400] =	vst v63  }
0x29: {  	_ =	swait.ge [sflag:s20], $0x8000  }
0x2a: {  	[sflag:s20] =	ssyncset.done $0x0  }
0x2b: {  	[sflag:s20] =	ssyncadd.s32 $0xFFFF8000  }
0x2c: {  	[tilespmem:s13], [sflag:$0x3] =	stream.indirect.gather [hbm4b:s3+s10], $0x80, s10, s10, $0xb8;
	[tilespmem:$0x18400] =	vst v63  }
0x2d: {  	_ =	swait.ge [sflag:s14], $0x8000  }
0x2e: {  	[sflag:s14] =	ssyncset.done $0x0  }
0x2f: {  	s22 =	sadd.s32 $0x3000, s6;
	[sflag:s14] =	ssyncadd.s32 $0xFFFF8000  }
0x30: {  	[hbm4b:s22+s5] =	stream.linear.scatter [tilespmem:s11], [sflag:$0x4], $0x8000, $0x38;
	[tilespmem:$0x18400] =	vst v63  }
0x31: {  	_ =	swait.ge [sflag:s15], $0x8000  }
0x32: {  	[sflag:s15] =	ssyncset.done $0x0  }
0x33: {  	[sflag:s15] =	ssyncadd.s32 $0xFFFF8000  }
0x34: {  	[tilespmem:s11], [sflag:$0x1] =	stream.indirect.gather [hbm4b:s3+s10], $0x80, s8, s10, $0xb8;
	[tilespmem:$0x18400] =	vst v63  }
0x35: {  	_ =	swait.ge [sflag:s17], $0x8000  }
0x36: {  	[sflag:s17] =	ssyncset.done $0x0  }
0x37: {  	s23 =	sadd.s32 $0x80000, s6;
	[sflag:s17] =	ssyncadd.s32 $0xFFFF8000  }
0x38: {  	[hbm4b:s23+s5] =	stream.linear.scatter [tilespmem:s12], [sflag:$0x5], $0x8000, $0x38;
	[tilespmem:$0x18400] =	vst v63  }
0x39: {  	_ =	swait.ge [sflag:s18], $0x8000  }
0x3a: {  	[sflag:s18] =	ssyncset.done $0x0  }
0x3b: {  	[sflag:s18] =	ssyncadd.s32 $0xFFFF8000  }
0x3c: {  	[tilespmem:s12], [sflag:$0x2] =	stream.indirect.gather [hbm4b:s3+s10], $0x80, s16, s10, $0xb8;
	[tilespmem:$0x18400] =	vst v63  }
0x3d: {  	_ =	swait.ge [sflag:s19], $0x8000  }
0x3e: {  	[sflag:s19] =	ssyncset.done $0x0  }
0x3f: {  	s24 =	sadd.s32 $0x81000, s6;
	[sflag:s19] =	ssyncadd.s32 $0xFFFF8000  }
0x40: {  	[hbm4b:s24+s5] =	stream.linear.scatter [tilespmem:s13], [sflag:$0x6], $0x8000, $0x38;
	[tilespmem:$0x18400] =	vst v63  }
0x41: {  	_ =	swait.ge [sflag:s20], $0x8000  }
0x42: {  	[sflag:s20] =	ssyncset.done $0x0  }
0x43: {  	[sflag:s20] =	ssyncadd.s32 $0xFFFF8000  }
0x44: {  	[tilespmem:s13], [sflag:$0x3] =	stream.indirect.gather [hbm4b:s4+s10], $0x80, s5, s10, $0xb8;
	[tilespmem:$0x18400] =	vst v63  }
0x45: {  	_ =	swait.ge [sflag:s14], $0x8000  }
0x46: {  	[sflag:s14] =	ssyncset.done $0x0  }
0x47: {  	s25 =	sadd.s32 $0x82000, s6;
	[sflag:s14] =	ssyncadd.s32 $0xFFFF8000  }
0x48: {  	[hbm4b:s25+s5] =	stream.linear.scatter [tilespmem:s11], [sflag:$0x4], $0x8000, $0x38;
	[tilespmem:$0x18400] =	vst v63  }
0x49: {  	_ =	swait.ge [sflag:s15], $0x8000  }
0x4a: {  	[sflag:s15] =	ssyncset.done $0x0  }
0x4b: {  	[sflag:s15] =	ssyncadd.s32 $0xFFFF8000  }
0x4c: {  	[tilespmem:s11], [sflag:$0x1] =	stream.indirect.gather [hbm4b:s4+s10], $0x80, s10, s10, $0xb8;
	[tilespmem:$0x18400] =	vst v63  }
0x4d: {  	_ =	swait.ge [sflag:s17], $0x8000  }
0x4e: {  	[sflag:s17] =	ssyncset.done $0x0  }
0x4f: {  	s26 =	sadd.s32 $0x83000, s6;
	[sflag:s17] =	ssyncadd.s32 $0xFFFF8000  }
0x50: {  	[hbm4b:s26+s5] =	stream.linear.scatter [tilespmem:s12], [sflag:$0x5], $0x8000, $0x38;
	[tilespmem:$0x18400] =	vst v63  }
0x51: {  	_ =	swait.ge [sflag:s18], $0x8000  }
0x52: {  	[sflag:s18] =	ssyncset.done $0x0  }
0x53: {  	[sflag:s18] =	ssyncadd.s32 $0xFFFF8000  }
0x54: {  	[tilespmem:s12], [sflag:$0x2] =	stream.indirect.gather [hbm4b:s4+s10], $0x80, s8, s10, $0xb8;
	[tilespmem:$0x18400] =	vst v63  }
0x55: {  	_ =	swait.ge [sflag:s19], $0x8000  }
0x56: {  	[sflag:s19] =	ssyncset.done $0x0  }
0x57: {  	s28 =	sadd.s32 $0x100000, s6;
	[sflag:s19] =	ssyncadd.s32 $0xFFFF8000  }
0x58: {  	[hbm4b:s28+s5] =	stream.linear.scatter [tilespmem:s13], [sflag:$0x6], $0x8000, $0x38;
	[tilespmem:$0x18400] =	vst v63  }
0x59: {  	_ =	swait.ge [sflag:s20], $0x8000  }
0x5a: {  	[sflag:s20] =	ssyncset.done $0x0  }
0x5b: {  	[sflag:s20] =	ssyncadd.s32 $0xFFFF8000  }
0x5c: {  	[tilespmem:s13], [sflag:$0x3] =	stream.indirect.gather [hbm4b:s4+s10], $0x80, s16, s10, $0xb8;
	[tilespmem:$0x18400] =	vst v63  }
0x5d: {  	_ =	swait.ge [sflag:s14], $0x8000  }
0x5e: {  	[sflag:s14] =	ssyncset.done $0x0  }
0x5f: {  	s29 =	sadd.s32 $0x101000, s6;
	[sflag:s14] =	ssyncadd.s32 $0xFFFF8000  }
0x60: {  	[hbm4b:s29+s5] =	stream.linear.scatter [tilespmem:s11], [sflag:$0x4], $0x8000, $0x38;
	[tilespmem:$0x18400] =	vst v63  }
0x61: {  	_ =	swait.ge [sflag:s17], $0x8000  }
0x62: {  	[sflag:s17] =	ssyncset.done $0x0  }
0x63: {  	s30 =	sadd.s32 $0x102000, s6;
	[sflag:s17] =	ssyncadd.s32 $0xFFFF8000  }
0x64: {  	[hbm4b:s30+s5] =	stream.linear.scatter [tilespmem:s12], [sflag:$0x5], $0x8000, $0x38;
	[tilespmem:$0x18400] =	vst v63  }
0x65: {  	s1 =	ssub.s32 $0x2, s1;
	_ =	swait.ge [sflag:s19], $0x8000  }
0x66: {  	s0 =	sshrl.u32 s1, $0x1;
	[sflag:s19] =	ssyncset.done $0x0  }
0x67: {  	s0 =	ssub.s32 s1, s0;
	s31 =	sadd.s32 $0x103000, s6;
	[sflag:s19] =	ssyncadd.s32 $0xFFFF8000  }
0x68: {  	[hbm4b:s31+s5] =	stream.linear.scatter [tilespmem:s13], [sflag:$0x6], $0x8000, $0x38;
	[tilespmem:$0x18400] =	vst v63  }
0x69: {  	s0 =	smax.u32 s0, $0x1;
	_ =	swait.ge [sflag:s15], $0x8000  }
0x6a: {  	p0 =	sne.s32 s0, $0x1;
	[sflag:s15] =	ssyncset.done $0x0  }
.Ltmp0:
0x6b: {  	[sflag:s15] =	ssyncadd.s32 $0xFFFF8000;
	(pc) =	sbr.rel @!p0 .LBB2_2-.Ltmp0, $4  }
0x6c: {  	_ =	swait.ge [sflag:s18], $0x8000  }
0x6d: {  	[sflag:s18] =	ssyncset.done $0x0  }
0x6e: {  	[sflag:s18] =	ssyncadd.s32 $0xFFFF8000  }
0x6f: {  	s1 =	sadd.s32 $0xFFFFFFFF, s0;
	_ =	swait.ge [sflag:s20], $0x8000  }
.LBB2_1:
0x70: {  	[sflag:s20] =	ssyncset.done $0x0  }
0x71: {  	s0 =	rddreg [dreg:$0x6];
	[sflag:s20] =	ssyncadd.s32 $0xFFFF8000  }
0x72: {  	[tilespmem:s5], [sflag:$0x7] =	stream.strided.gather [hbm4b:s0+s7], $0x400, s8, s7, $0x38;
	[tilespmem:$0x18400] =	vst v63  }
0x73: {  	_ =	swait.ge [sflag:s9], $0x400  }
0x74: {  	[sflag:s9] =	ssyncset.done $0x0  }
0x75: {  	[sflag:s9] =	ssyncadd.s32 $0xFFFFFC00  }
0x76: {  	[tilespmem:s11], [sflag:$0x1] =	stream.indirect.gather [hbm4b:s2+s10], $0x80, s5, s10, $0xb8;
	[tilespmem:$0x18400] =	vst v63  }
0x77: {  	_ = 	snop  }
0x78: {  	[tilespmem:s12], [sflag:$0x2] =	stream.indirect.gather [hbm4b:s2+s10], $0x80, s10, s10, $0xb8;
	[tilespmem:$0x18400] =	vst v63  }
0x79: {  	_ = 	snop  }
0x7a: {  	[tilespmem:s13], [sflag:$0x3] =	stream.indirect.gather [hbm4b:s2+s10], $0x80, s8, s10, $0xb8;
	[tilespmem:$0x18400] =	vst v63  }
0x7b: {  	_ =	swait.ge [sflag:s14], $0x8000  }
0x7c: {  	[sflag:s14] =	ssyncset.done $0x0  }
0x7d: {  	[sflag:s14] =	ssyncadd.s32 $0xFFFF8000  }
0x7e: {  	[hbm4b:s6+s5] =	stream.linear.scatter [tilespmem:s11], [sflag:$0x4], $0x8000, $0x38;
	[tilespmem:$0x18400] =	vst v63  }
0x7f: {  	_ =	swait.ge [sflag:s15], $0x8000  }
0x80: {  	[sflag:s15] =	ssyncset.done $0x0  }
0x81: {  	[sflag:s15] =	ssyncadd.s32 $0xFFFF8000  }
0x82: {  	[tilespmem:s11], [sflag:$0x1] =	stream.indirect.gather [hbm4b:s2+s10], $0x80, s16, s10, $0xb8;
	[tilespmem:$0x18400] =	vst v63  }
0x83: {  	_ =	swait.ge [sflag:s17], $0x8000  }
0x84: {  	[sflag:s17] =	ssyncset.done $0x0  }
0x85: {  	s0 =	rddreg [dreg:$0x7];
	[sflag:s17] =	ssyncadd.s32 $0xFFFF8000  }
0x86: {  	[hbm4b:s0+s5] =	stream.linear.scatter [tilespmem:s12], [sflag:$0x5], $0x8000, $0x38;
	[tilespmem:$0x18400] =	vst v63  }
0x87: {  	_ =	swait.ge [sflag:s18], $0x8000  }
0x88: {  	[sflag:s18] =	ssyncset.done $0x0  }
0x89: {  	[sflag:s18] =	ssyncadd.s32 $0xFFFF8000  }
0x8a: {  	[tilespmem:s12], [sflag:$0x2] =	stream.indirect.gather [hbm4b:s3+s10], $0x80, s5, s10, $0xb8;
	[tilespmem:$0x18400] =	vst v63  }
0x8b: {  	_ =	swait.ge [sflag:s19], $0x8000  }
0x8c: {  	[sflag:s19] =	ssyncset.done $0x0  }
0x8d: {  	[sflag:s19] =	ssyncadd.s32 $0xFFFF8000  }
0x8e: {  	[hbm4b:s21+s5] =	stream.linear.scatter [tilespmem:s13], [sflag:$0x6], $0x8000, $0x38;
	[tilespmem:$0x18400] =	vst v63  }
0x8f: {  	_ =	swait.ge [sflag:s20], $0x8000  }
0x90: {  	[sflag:s20] =	ssyncset.done $0x0  }
0x91: {  	[sflag:s20] =	ssyncadd.s32 $0xFFFF8000  }
0x92: {  	[tilespmem:s13], [sflag:$0x3] =	stream.indirect.gather [hbm4b:s3+s10], $0x80, s10, s10, $0xb8;
	[tilespmem:$0x18400] =	vst v63  }
0x93: {  	_ =	swait.ge [sflag:s14], $0x8000  }
0x94: {  	[sflag:s14] =	ssyncset.done $0x0  }
0x95: {  	[sflag:s14] =	ssyncadd.s32 $0xFFFF8000  }
0x96: {  	[hbm4b:s22+s5] =	stream.linear.scatter [tilespmem:s11], [sflag:$0x4], $0x8000, $0x38;
	[tilespmem:$0x18400] =	vst v63  }
0x97: {  	_ =	swait.ge [sflag:s15], $0x8000  }
0x98: {  	[sflag:s15] =	ssyncset.done $0x0  }
0x99: {  	[sflag:s15] =	ssyncadd.s32 $0xFFFF8000  }
0x9a: {  	[tilespmem:s11], [sflag:$0x1] =	stream.indirect.gather [hbm4b:s3+s10], $0x80, s8, s10, $0xb8;
	[tilespmem:$0x18400] =	vst v63  }
0x9b: {  	_ =	swait.ge [sflag:s17], $0x8000  }
0x9c: {  	[sflag:s17] =	ssyncset.done $0x0  }
0x9d: {  	[sflag:s17] =	ssyncadd.s32 $0xFFFF8000  }
0x9e: {  	[hbm4b:s23+s5] =	stream.linear.scatter [tilespmem:s12], [sflag:$0x5], $0x8000, $0x38;
	[tilespmem:$0x18400] =	vst v63  }
0x9f: {  	_ =	swait.ge [sflag:s18], $0x8000  }
0xa0: {  	[sflag:s18] =	ssyncset.done $0x0  }
0xa1: {  	[sflag:s18] =	ssyncadd.s32 $0xFFFF8000  }
0xa2: {  	[tilespmem:s12], [sflag:$0x2] =	stream.indirect.gather [hbm4b:s3+s10], $0x80, s16, s10, $0xb8;
	[tilespmem:$0x18400] =	vst v63  }
0xa3: {  	_ =	swait.ge [sflag:s19], $0x8000  }
0xa4: {  	[sflag:s19] =	ssyncset.done $0x0  }
0xa5: {  	[sflag:s19] =	ssyncadd.s32 $0xFFFF8000  }
0xa6: {  	[hbm4b:s24+s5] =	stream.linear.scatter [tilespmem:s13], [sflag:$0x6], $0x8000, $0x38;
	[tilespmem:$0x18400] =	vst v63  }
0xa7: {  	_ =	swait.ge [sflag:s20], $0x8000  }
0xa8: {  	[sflag:s20] =	ssyncset.done $0x0  }
0xa9: {  	[sflag:s20] =	ssyncadd.s32 $0xFFFF8000  }
0xaa: {  	[tilespmem:s13], [sflag:$0x3] =	stream.indirect.gather [hbm4b:s4+s10], $0x80, s5, s10, $0xb8;
	[tilespmem:$0x18400] =	vst v63  }
0xab: {  	_ =	swait.ge [sflag:s14], $0x8000  }
0xac: {  	[sflag:s14] =	ssyncset.done $0x0  }
0xad: {  	[sflag:s14] =	ssyncadd.s32 $0xFFFF8000  }
0xae: {  	[hbm4b:s25+s5] =	stream.linear.scatter [tilespmem:s11], [sflag:$0x4], $0x8000, $0x38;
	[tilespmem:$0x18400] =	vst v63  }
0xaf: {  	_ =	swait.ge [sflag:s15], $0x8000  }
0xb0: {  	[sflag:s15] =	ssyncset.done $0x0  }
0xb1: {  	[sflag:s15] =	ssyncadd.s32 $0xFFFF8000  }
0xb2: {  	[tilespmem:s11], [sflag:$0x1] =	stream.indirect.gather [hbm4b:s4+s10], $0x80, s10, s10, $0xb8;
	[tilespmem:$0x18400] =	vst v63  }
0xb3: {  	_ =	swait.ge [sflag:s17], $0x8000  }
0xb4: {  	[sflag:s17] =	ssyncset.done $0x0  }
0xb5: {  	[sflag:s17] =	ssyncadd.s32 $0xFFFF8000  }
0xb6: {  	[hbm4b:s26+s5] =	stream.linear.scatter [tilespmem:s12], [sflag:$0x5], $0x8000, $0x38;
	[tilespmem:$0x18400] =	vst v63  }
0xb7: {  	_ =	swait.ge [sflag:s18], $0x8000  }
0xb8: {  	[sflag:s18] =	ssyncset.done $0x0  }
0xb9: {  	[sflag:s18] =	ssyncadd.s32 $0xFFFF8000  }
0xba: {  	[tilespmem:s12], [sflag:$0x2] =	stream.indirect.gather [hbm4b:s4+s10], $0x80, s8, s10, $0xb8;
	[tilespmem:$0x18400] =	vst v63  }
0xbb: {  	_ =	swait.ge [sflag:s19], $0x8000  }
0xbc: {  	[sflag:s19] =	ssyncset.done $0x0  }
0xbd: {  	[sflag:s19] =	ssyncadd.s32 $0xFFFF8000  }
0xbe: {  	[hbm4b:s28+s5] =	stream.linear.scatter [tilespmem:s13], [sflag:$0x6], $0x8000, $0x38;
	[tilespmem:$0x18400] =	vst v63  }
0xbf: {  	_ =	swait.ge [sflag:s20], $0x8000  }
0xc0: {  	[sflag:s20] =	ssyncset.done $0x0  }
0xc1: {  	[sflag:s20] =	ssyncadd.s32 $0xFFFF8000  }
0xc2: {  	[tilespmem:s13], [sflag:$0x3] =	stream.indirect.gather [hbm4b:s4+s10], $0x80, s16, s10, $0xb8;
	[tilespmem:$0x18400] =	vst v63  }
0xc3: {  	_ =	swait.ge [sflag:s14], $0x8000  }
0xc4: {  	[sflag:s14] =	ssyncset.done $0x0  }
0xc5: {  	[sflag:s14] =	ssyncadd.s32 $0xFFFF8000  }
0xc6: {  	[hbm4b:s29+s5] =	stream.linear.scatter [tilespmem:s11], [sflag:$0x4], $0x8000, $0x38;
	[tilespmem:$0x18400] =	vst v63  }
0xc7: {  	_ =	swait.ge [sflag:s17], $0x8000  }
0xc8: {  	[sflag:s17] =	ssyncset.done $0x0  }
0xc9: {  	[sflag:s17] =	ssyncadd.s32 $0xFFFF8000  }
0xca: {  	[hbm4b:s30+s5] =	stream.linear.scatter [tilespmem:s12], [sflag:$0x5], $0x8000, $0x38;
	[tilespmem:$0x18400] =	vst v63  }
0xcb: {  	_ =	swait.ge [sflag:s19], $0x8000  }
0xcc: {  	[sflag:s19] =	ssyncset.done $0x0  }
0xcd: {  	[sflag:s19] =	ssyncadd.s32 $0xFFFF8000  }
0xce: {  	[hbm4b:s31+s5] =	stream.linear.scatter [tilespmem:s13], [sflag:$0x6], $0x8000, $0x38;
	[tilespmem:$0x18400] =	vst v63  }
0xcf: {  	_ =	swait.ge [sflag:s15], $0x8000  }
0xd0: {  	p0 =	sne.s32 s1, $0x1;
	[sflag:s15] =	ssyncset.done $0x0  }
.Ltmp1:
0xd1: {  	[sflag:s15] =	ssyncadd.s32 $0xFFFF8000;
	(pc) =	sbr.rel @p0 .LBB2_1-.Ltmp1, $4  }
0xd2: {  	_ =	swait.ge [sflag:s18], $0x8000  }
0xd3: {  	[sflag:s18] =	ssyncset.done $0x0  }
0xd4: {  	[sflag:s18] =	ssyncadd.s32 $0xFFFF8000  }
0xd5: {  	s1 =	sadd.s32 $0xFFFFFFFF, s1;
	_ =	swait.ge [sflag:s20], $0x8000  }
.LBB2_2:
0xd6: {  	[sflag:s20] =	ssyncset.done $0x0  }
0xd7: {  	[sflag:s20] =	ssyncadd.s32 $0xFFFF8000  }
0xd8: {  	_ =	sfence.sel $0x180000  }
0xd9: {  	[bflag:$0x0] =	sbarrier.arrive $0xFFFF  }
0xda: {  	_ =	strace $0x90000047  }
0xdb: {  	s0 =	stileid.u32;
	[bflag:$0x2] =	sbarrier.arrive $0xFFFF  }
0xdc: {  	p0 =	sne.s32 s0, $0x0;
	s0 =	rddreg [dreg:$0x5]  }
0xdd: {  	s0 =	sadd.s32 @!p0 $0x100000, s0  }
0xde: {  	[sflag:s0] =	ssyncadd.tile.s32 @!p0 $0x1;
	_ =	shalt  }
.Lfunc_end2:
_tile_overlayer_lowered:
.L_overlay_start_2:
0xdf: {  	(tag) =	ssettag $0x2  }
0xe0: {  	s0 =	rddreg [dreg:$0x0];
	s2 =	stileid.u32  }
0xe1: {  	s1 =	rddreg [dreg:$0x1];
	p0 =	sne.s32 s2, $0x0  }
0xe2: {  	s3 =	rddreg [dreg:$0x2];
	[bflag:$0x3] =	sbarrier.arrive $0xFFFF;
	s2 =	simm.s32 @!p0 $0x1C07  }
0xe3: {  	[timem:s3], [sflag:s2] =	dma.local @!p0 [hbm:s0], s1  }
0xe4: {  	s0 =	simm.s32 @!p0 $0x7  }
0xe5: {  	_ =	swait.ge @!p0 [sflag:s0], s1  }
0xe6: {  	s1 =	ssub.s32 @!p0 $0x0, s1;
	[sflag:s0] =	ssyncset.done @!p0 $0x0  }
0xe7: {  	[sflag:s0] =	ssyncadd.s32 @!p0 s1  }
0xe8: {  	[bflag:$0x3] =	sbarrier.arrive $0xFFFF  }
0xe9: {  	_ =	shalt  }

</sc_bundles>
